<compile_context>
chip_gen: v7x
topology: tpu7x:2x2x1
jax: 0.10.2.dev20260603
libtpu: 0.0.44.dev20260713+nightly
codegen_flags: <defaults>
</compile_context>

<pallas_src>
import functools

import jax
import jax.numpy as jnp
from jax import lax
from jax.experimental import pallas as pl
from jax.experimental.pallas import tpu as pltpu
from jax.experimental.pallas import tpu_sc as plsc

_NUM_WORKERS = 32
_CHUNK = 128


def _sc_gather(table, idx):
    B = idx.shape[0]
    D = table.shape[1]
    per_w = B // _NUM_WORKERS
    chunks = per_w // _CHUNK
    idx3 = idx.reshape(_NUM_WORKERS, chunks, _CHUNK)
    mesh = plsc.VectorSubcoreMesh(core_axis_name="c", subcore_axis_name="s")

    @functools.partial(
        pl.kernel,
        mesh=mesh,
        out_type=jax.ShapeDtypeStruct((B, D), jnp.float32),
        scratch_types=[
            pltpu.VMEM((chunks, _CHUNK), jnp.int32),
            pltpu.VMEM((per_w, D), jnp.float32),
            pltpu.SemaphoreType.DMA,
        ],
    )
    def gather_kernel(table_hbm, idx_hbm, out_hbm, idx_v, rows_v, sem):
        wid = lax.axis_index("s") * 2 + lax.axis_index("c")
        pltpu.sync_copy(idx_hbm.at[wid], idx_v)
        copies = []
        for j in range(chunks):
            copies.append(
                pltpu.async_copy(
                    table_hbm.at[idx_v.at[j]],
                    rows_v.at[pl.ds(j * _CHUNK, _CHUNK)],
                    sem,
                )
            )
        for c in copies:
            c.wait()
        pltpu.sync_copy(rows_v, out_hbm.at[pl.ds(wid * per_w, per_w)])

    return gather_kernel(table, idx3)


def _make_tc_body(blk, n_rel, d_pad, m_total):
    inv_m = 1.0 / m_total

    def body(rows_ref, r_ref, rel_ref, w_ref, out_ref):
        i = pl.program_id(0)
        x3 = rows_ref[...]
        x = x3.reshape(3 * blk, x3.shape[2])
        p = jnp.dot(x.astype(jnp.bfloat16), w_ref[...],
                    preferred_element_type=jnp.float32)
        rb = r_ref[...]
        rk3 = jnp.concatenate([rb, rb, rb], axis=0)

        def nrm(v):
            n2 = jnp.sum(v * v, axis=1, keepdims=True)
            return v * lax.rsqrt(jnp.maximum(n2, 1e-24))

        lvl = [p[:, k * d_pad:(k + 1) * d_pad] for k in range(n_rel)]
        rel_n = nrm(rel_ref[...])
        rlvl = [rel_n[k:k + 1, :] for k in range(n_rel)]
        b = 0
        while len(lvl) > 1:
            m3 = (rk3 & (1 << b)) != 0
            mb = (rb & (1 << b)) != 0
            lvl = [jnp.where(m3, lvl[2 * j + 1], lvl[2 * j])
                   for j in range(len(lvl) // 2)]
            rlvl = [jnp.where(mb, rlvl[2 * j + 1], rlvl[2 * j])
                    for j in range(len(rlvl) // 2)]
            b += 1
        sel = lvl[0]
        sel_n = nrm(sel)
        r_vec = rlvl[0]
        h_vec = sel_n[0:blk]
        p_vec = sel_n[blk:2 * blk]
        n_vec = sel_n[2 * blk:3 * blk]
        base = h_vec + r_vec
        pos_s = jnp.sum((base - p_vec) ** 2, axis=1, keepdims=True)
        neg_s = jnp.sum((base - n_vec) ** 2, axis=1, keepdims=True)
        z = pos_s - neg_s
        l_part = jnp.sum(jnp.maximum(z, 0.0) + jnp.log(1.0 + jnp.exp(-jnp.abs(z))))
        reg = 0.5 * (jnp.sum(h_vec * h_vec) + jnp.sum(p_vec * p_vec)
                     + jnp.sum(n_vec * n_vec) + jnp.sum(r_vec * r_vec))
        part = l_part + 0.01 * reg

        @pl.when(i == 0)
        def _init():
            out_ref[...] = jnp.zeros_like(out_ref)

        out_ref[...] += part

        @pl.when(i == pl.num_programs(0) - 1)
        def _finish():
            out_ref[...] = out_ref[...] * inv_m

    return body


def _tc_loss(rows3, r2d, rel_pad, w_pad, m_total, blk=1024):
    m_this = r2d.shape[0]
    d_in = rows3.shape[2]
    n_rel, d_pad = rel_pad.shape
    grid = (m_this // blk,)
    return pl.pallas_call(
        _make_tc_body(blk, n_rel, d_pad, m_total),
        grid=grid,
        in_specs=[
            pl.BlockSpec((3, blk, d_in), lambda i: (0, i, 0)),
            pl.BlockSpec((blk, 1), lambda i: (i, 0)),
            pl.BlockSpec((n_rel, d_pad), lambda i: (0, 0)),
            pl.BlockSpec((d_in, n_rel * d_pad), lambda i: (0, 0)),
        ],
        out_specs=pl.BlockSpec((1, 1), lambda i: (0, 0)),
        out_shape=jax.ShapeDtypeStruct((1, 1), jnp.float32),
    )(rows3, r2d, rel_pad, w_pad)


def kernel(h, r, pos_t, neg_t, entity_embed, relation_embed, W_R):
    m = h.shape[0]
    h = h.astype(jnp.int32)
    r = r.astype(jnp.int32)
    pos_t = pos_t.astype(jnp.int32)
    neg_t = neg_t.astype(jnp.int32)
    n_rel, d_in, d_rel = W_R.shape
    d_pad = 128
    w_padded = jnp.pad(W_R.astype(jnp.bfloat16),
                       ((0, 0), (0, 0), (0, d_pad - d_rel)))
    w_all = jnp.transpose(w_padded, (1, 0, 2)).reshape(d_in, n_rel * d_pad)
    rel_pad = jnp.pad(relation_embed, ((0, 0), (0, d_pad - d_rel)))

    idx_all = jnp.concatenate([h, pos_t, neg_t], axis=0)
    rows = _sc_gather(entity_embed, idx_all)
    rows3 = rows.reshape(3, m, d_in)
    r2d = r.reshape(m, 1)
    loss2 = _tc_loss(rows3, r2d, rel_pad, w_all, m)
    return loss2[0, 0]

# --- scband reference (transcript-rebuilt; emitter-appended) ---
"""Pipeline reference for scband-model-61040075210793 (READ-ONLY COPY).

The authoritative reference and input builder live on the scoring server;
editing this copy changes nothing except your own understanding.
"""

import jax, jax.numpy as jnp
import numpy as np

N_ENT = 100000
N_REL = 16
D_IN = 128
D_REL = 64
M = 8192


def setup_inputs(seed: int = 0) -> dict:
    key = jax.random.key(seed)
    k1, k2, k3, k4, k5, k6, k7 = jax.random.split(key, 7)
    h = jax.random.randint(k1, (M,), 0, N_ENT, dtype=jnp.int64 if jax.config.jax_enable_x64 else jnp.int32)
    r = jax.random.randint(k2, (M,), 0, N_REL, dtype=jnp.int64 if jax.config.jax_enable_x64 else jnp.int32)
    pos_t = jax.random.randint(k3, (M,), 0, N_ENT, dtype=jnp.int64 if jax.config.jax_enable_x64 else jnp.int32)
    neg_t = jax.random.randint(k4, (M,), 0, N_ENT, dtype=jnp.int64 if jax.config.jax_enable_x64 else jnp.int32)
    entity_embed = jax.random.normal(k5, (N_ENT, D_IN), dtype=jnp.float32) * 0.02
    relation_embed = jax.random.normal(k6, (N_REL, D_REL), dtype=jnp.float32) * 0.02
    W_R = jax.random.normal(k7, (N_REL, D_IN, D_REL), dtype=jnp.float32) * 0.02
    return {"h": h, "r": r, "pos_t": pos_t, "neg_t": neg_t,
            "entity_embed": entity_embed, "relation_embed": relation_embed, "W_R": W_R}


def _l2_normalize(x, eps=1e-12):
    # matches torch F.normalize(p=2, dim=1)
    n = jnp.sqrt(jnp.sum(x * x, axis=1, keepdims=True))
    return x / jnp.maximum(n, eps)


def _l2_loss_mean(x):
    return jnp.mean(jnp.sum(x * x, axis=1) / 2.0)


def reference(h, r, pos_t, neg_t, entity_embed, relation_embed, W_R):
    reg_lambda_kg = 0.01
    # embedding lookups (gathers)
    h_embed = jnp.take(entity_embed, h, axis=0)          # (M, D_IN)
    r_embed = jnp.take(relation_embed, r, axis=0)        # (M, D_REL)
    pos_t_embed = jnp.take(entity_embed, pos_t, axis=0)  # (M, D_IN)
    neg_t_embed = jnp.take(entity_embed, neg_t, axis=0)  # (M, D_IN)

    # bmm_maybe_select: BB = W_R[r]; C[i] = A[i] @ BB[i]
    W_sel = jnp.take(W_R, r, axis=0)                     # (M, D_IN, D_REL)

    h_vec = _l2_normalize(jnp.einsum('md,mde->me', h_embed, W_sel))
    r_vec = _l2_normalize(r_embed)
    pos_t_vec = _l2_normalize(jnp.einsum('md,mde->me', pos_t_embed, W_sel))
    neg_t_vec = _l2_normalize(jnp.einsum('md,mde->me', neg_t_embed, W_sel))

    pos_score = jnp.sum((h_vec + r_vec - pos_t_vec) ** 2, axis=1, keepdims=True)
    neg_score = jnp.sum((h_vec + r_vec - neg_t_vec) ** 2, axis=1, keepdims=True)

    l = jnp.mean(-jax.nn.log_sigmoid(neg_score - pos_score))
    reg_loss = (_l2_loss_mean(h_vec) + _l2_loss_mean(r_vec)
                + _l2_loss_mean(pos_t_vec) + _l2_loss_mean(neg_t_vec))
    loss = l + reg_lambda_kg * reg_loss
    return loss

if __name__ == "__main__":
    import jax
    _d = setup_inputs()
    print(jax.jit(kernel)(*tuple(_d.values())))

</pallas_src>

<mosaic_0001>
#map = affine_map<(d0, d1) -> (0, 0)>
#map1 = affine_map<(d0, d1) -> (0, 0, 0)>
module attributes {stable_mosaic.version = 14 : i64} {
  func.func @gather_kernel(%arg0: i32, %arg1: i32, %arg2: memref<100000x128xf32, #tpu.memory_space<hbm>>, %arg3: memref<32x6x128xi32, #tpu.memory_space<hbm>>, %arg4: memref<24576x128xf32, #tpu.memory_space<hbm>>, %arg5: memref<6x128xi32, #tpu.memory_space<vmem>>, %arg6: memref<768x128xf32, #tpu.memory_space<vmem>>, %arg7: memref<!tpu.dma_semaphore, #tpu.memory_space<semaphore_mem>>) attributes {dimension_semantics = [#tpu.dimension_semantics<core_parallel>, #tpu.dimension_semantics<subcore_parallel>], iteration_bounds = array<i64: 2, 16>, scalar_prefetch = 0 : i64, scratch_operands = 3 : i64, tpu.core_type = #tpu.core_type<sc_vector_subcore>, window_params = [{transform_indices = #map}, {transform_indices = #map1}, {transform_indices = #map}]} {
    %mul3A = arith.constant 2 : i32
    %mul3A_0 = arith.muli %arg1, %mul3A : i32
    %add3A = arith.addi %mul3A_0, %arg0 : i32
    "tpu.region"() ({
      %run_scoped3A = tpu.sem_alloc : memref<!tpu.dma_semaphore, #tpu.memory_space<semaphore_mem>>
      %dma_start3A_121 = arith.constant 0 : i32
      %dma_start3A_122 = arith.constant 0 : i32
      %dma_start3A_123 = tpu.memref_slice %arg3[%add3A, %dma_start3A_121, %dma_start3A_122] : memref<32x6x128xi32, #tpu.memory_space<hbm>> -> memref<1x6x128xi32, #tpu.memory_space<hbm>>
      %dma_start3A_124 = tpu.memref_squeeze %dma_start3A_123 : memref<1x6x128xi32, #tpu.memory_space<hbm>> -> memref<6x128xi32, #tpu.memory_space<hbm>>
      %dma_start3A_125 = arith.constant 0 : i32
      %dma_start3A_126 = arith.constant 0 : i32
      %dma_start3A_127 = tpu.memref_slice %arg3[%add3A, %dma_start3A_125, %dma_start3A_126] : memref<32x6x128xi32, #tpu.memory_space<hbm>> -> memref<1x6x128xi32, #tpu.memory_space<hbm>>
      %dma_start3A_128 = tpu.memref_squeeze %dma_start3A_127 : memref<1x6x128xi32, #tpu.memory_space<hbm>> -> memref<6x128xi32, #tpu.memory_space<hbm>>
      tpu.enqueue_dma source(%dma_start3A_128 : memref<6x128xi32, #tpu.memory_space<hbm>>) target(%arg5 : memref<6x128xi32, #tpu.memory_space<vmem>>) target_semaphore(%run_scoped3A : memref<!tpu.dma_semaphore, #tpu.memory_space<semaphore_mem>>)
      %dma_wait3A_129 = arith.constant 0 : i32
      %dma_wait3A_130 = arith.constant 0 : i32
      %dma_wait3A_131 = tpu.memref_slice %arg3[%add3A, %dma_wait3A_129, %dma_wait3A_130] : memref<32x6x128xi32, #tpu.memory_space<hbm>> -> memref<1x6x128xi32, #tpu.memory_space<hbm>>
      %dma_wait3A_132 = tpu.memref_squeeze %dma_wait3A_131 : memref<1x6x128xi32, #tpu.memory_space<hbm>> -> memref<6x128xi32, #tpu.memory_space<hbm>>
      %dma_wait3A_133 = arith.constant 0 : i32
      %dma_wait3A_134 = arith.constant 0 : i32
      %dma_wait3A_135 = tpu.memref_slice %arg3[%add3A, %dma_wait3A_133, %dma_wait3A_134] : memref<32x6x128xi32, #tpu.memory_space<hbm>> -> memref<1x6x128xi32, #tpu.memory_space<hbm>>
      %dma_wait3A_136 = tpu.memref_squeeze %dma_wait3A_135 : memref<1x6x128xi32, #tpu.memory_space<hbm>> -> memref<6x128xi32, #tpu.memory_space<hbm>>
      tpu.wait_dma2 semaphore(%run_scoped3A : memref<!tpu.dma_semaphore, #tpu.memory_space<semaphore_mem>>) src(%dma_wait3A_136 : memref<6x128xi32, #tpu.memory_space<hbm>>) dst(%arg5 : memref<6x128xi32, #tpu.memory_space<vmem>>)
      tpu.yield
    }) : () -> ()
    %dma_start3A = arith.constant 0 : i32
    %dma_start3A_1 = arith.constant 0 : i32
    %dma_start3A_2 = arith.constant 0 : i32
    %dma_start3A_3 = tpu.memref_slice %arg6[%dma_start3A_1, %dma_start3A_2] : memref<768x128xf32, #tpu.memory_space<vmem>> -> memref<128x128xf32, #tpu.memory_space<vmem>>
    %dma_start3A_4 = arith.constant 0 : i32
    %dma_start3A_5 = tpu.memref_slice %arg5[%dma_start3A, %dma_start3A_4] : memref<6x128xi32, #tpu.memory_space<vmem>> -> memref<1x128xi32, #tpu.memory_space<vmem>>
    %dma_start3A_6 = tpu.memref_squeeze %dma_start3A_5 : memref<1x128xi32, #tpu.memory_space<vmem>> -> memref<128xi32, #tpu.memory_space<vmem>>
    %dma_start3A_7 = arith.constant 0 : i32
    %dma_start3A_8 = arith.constant 0 : i32
    %dma_start3A_9 = tpu.memref_slice %arg2[%dma_start3A_7, %dma_start3A_8] : memref<100000x128xf32, #tpu.memory_space<hbm>> -> memref<100000x128xf32, #tpu.memory_space<hbm>>
    tpu.enqueue_indirect_dma source(%dma_start3A_9 : memref<100000x128xf32, #tpu.memory_space<hbm>>) target(%dma_start3A_3 : memref<128x128xf32, #tpu.memory_space<vmem>>) offsets(%dma_start3A_6 : memref<128xi32, #tpu.memory_space<vmem>>) semaphore(%arg7 : memref<!tpu.dma_semaphore, #tpu.memory_space<semaphore_mem>>)
    %dma_start3A_10 = arith.constant 1 : i32
    %dma_start3A_11 = arith.constant 128 : i32
    %dma_start3A_12 = arith.constant 0 : i32
    %dma_start3A_13 = tpu.memref_slice %arg6[%dma_start3A_11, %dma_start3A_12] : memref<768x128xf32, #tpu.memory_space<vmem>> -> memref<128x128xf32, #tpu.memory_space<vmem>>
    %dma_start3A_14 = arith.constant 0 : i32
    %dma_start3A_15 = tpu.memref_slice %arg5[%dma_start3A_10, %dma_start3A_14] : memref<6x128xi32, #tpu.memory_space<vmem>> -> memref<1x128xi32, #tpu.memory_space<vmem>>
    %dma_start3A_16 = tpu.memref_squeeze %dma_start3A_15 : memref<1x128xi32, #tpu.memory_space<vmem>> -> memref<128xi32, #tpu.memory_space<vmem>>
    %dma_start3A_17 = arith.constant 0 : i32
    %dma_start3A_18 = arith.constant 0 : i32
    %dma_start3A_19 = tpu.memref_slice %arg2[%dma_start3A_17, %dma_start3A_18] : memref<100000x128xf32, #tpu.memory_space<hbm>> -> memref<100000x128xf32, #tpu.memory_space<hbm>>
    tpu.enqueue_indirect_dma source(%dma_start3A_19 : memref<100000x128xf32, #tpu.memory_space<hbm>>) target(%dma_start3A_13 : memref<128x128xf32, #tpu.memory_space<vmem>>) offsets(%dma_start3A_16 : memref<128xi32, #tpu.memory_space<vmem>>) semaphore(%arg7 : memref<!tpu.dma_semaphore, #tpu.memory_space<semaphore_mem>>)
    %dma_start3A_20 = arith.constant 2 : i32
    %dma_start3A_21 = arith.constant 256 : i32
    %dma_start3A_22 = arith.constant 0 : i32
    %dma_start3A_23 = tpu.memref_slice %arg6[%dma_start3A_21, %dma_start3A_22] : memref<768x128xf32, #tpu.memory_space<vmem>> -> memref<128x128xf32, #tpu.memory_space<vmem>>
    %dma_start3A_24 = arith.constant 0 : i32
    %dma_start3A_25 = tpu.memref_slice %arg5[%dma_start3A_20, %dma_start3A_24] : memref<6x128xi32, #tpu.memory_space<vmem>> -> memref<1x128xi32, #tpu.memory_space<vmem>>
    %dma_start3A_26 = tpu.memref_squeeze %dma_start3A_25 : memref<1x128xi32, #tpu.memory_space<vmem>> -> memref<128xi32, #tpu.memory_space<vmem>>
    %dma_start3A_27 = arith.constant 0 : i32
    %dma_start3A_28 = arith.constant 0 : i32
    %dma_start3A_29 = tpu.memref_slice %arg2[%dma_start3A_27, %dma_start3A_28] : memref<100000x128xf32, #tpu.memory_space<hbm>> -> memref<100000x128xf32, #tpu.memory_space<hbm>>
    tpu.enqueue_indirect_dma source(%dma_start3A_29 : memref<100000x128xf32, #tpu.memory_space<hbm>>) target(%dma_start3A_23 : memref<128x128xf32, #tpu.memory_space<vmem>>) offsets(%dma_start3A_26 : memref<128xi32, #tpu.memory_space<vmem>>) semaphore(%arg7 : memref<!tpu.dma_semaphore, #tpu.memory_space<semaphore_mem>>)
    %dma_start3A_30 = arith.constant 3 : i32
    %dma_start3A_31 = arith.constant 384 : i32
    %dma_start3A_32 = arith.constant 0 : i32
    %dma_start3A_33 = tpu.memref_slice %arg6[%dma_start3A_31, %dma_start3A_32] : memref<768x128xf32, #tpu.memory_space<vmem>> -> memref<128x128xf32, #tpu.memory_space<vmem>>
    %dma_start3A_34 = arith.constant 0 : i32
    %dma_start3A_35 = tpu.memref_slice %arg5[%dma_start3A_30, %dma_start3A_34] : memref<6x128xi32, #tpu.memory_space<vmem>> -> memref<1x128xi32, #tpu.memory_space<vmem>>
    %dma_start3A_36 = tpu.memref_squeeze %dma_start3A_35 : memref<1x128xi32, #tpu.memory_space<vmem>> -> memref<128xi32, #tpu.memory_space<vmem>>
    %dma_start3A_37 = arith.constant 0 : i32
    %dma_start3A_38 = arith.constant 0 : i32
    %dma_start3A_39 = tpu.memref_slice %arg2[%dma_start3A_37, %dma_start3A_38] : memref<100000x128xf32, #tpu.memory_space<hbm>> -> memref<100000x128xf32, #tpu.memory_space<hbm>>
    tpu.enqueue_indirect_dma source(%dma_start3A_39 : memref<100000x128xf32, #tpu.memory_space<hbm>>) target(%dma_start3A_33 : memref<128x128xf32, #tpu.memory_space<vmem>>) offsets(%dma_start3A_36 : memref<128xi32, #tpu.memory_space<vmem>>) semaphore(%arg7 : memref<!tpu.dma_semaphore, #tpu.memory_space<semaphore_mem>>)
    %dma_start3A_40 = arith.constant 4 : i32
    %dma_start3A_41 = arith.constant 512 : i32
    %dma_start3A_42 = arith.constant 0 : i32
    %dma_start3A_43 = tpu.memref_slice %arg6[%dma_start3A_41, %dma_start3A_42] : memref<768x128xf32, #tpu.memory_space<vmem>> -> memref<128x128xf32, #tpu.memory_space<vmem>>
    %dma_start3A_44 = arith.constant 0 : i32
    %dma_start3A_45 = tpu.memref_slice %arg5[%dma_start3A_40, %dma_start3A_44] : memref<6x128xi32, #tpu.memory_space<vmem>> -> memref<1x128xi32, #tpu.memory_space<vmem>>
    %dma_start3A_46 = tpu.memref_squeeze %dma_start3A_45 : memref<1x128xi32, #tpu.memory_space<vmem>> -> memref<128xi32, #tpu.memory_space<vmem>>
    %dma_start3A_47 = arith.constant 0 : i32
    %dma_start3A_48 = arith.constant 0 : i32
    %dma_start3A_49 = tpu.memref_slice %arg2[%dma_start3A_47, %dma_start3A_48] : memref<100000x128xf32, #tpu.memory_space<hbm>> -> memref<100000x128xf32, #tpu.memory_space<hbm>>
    tpu.enqueue_indirect_dma source(%dma_start3A_49 : memref<100000x128xf32, #tpu.memory_space<hbm>>) target(%dma_start3A_43 : memref<128x128xf32, #tpu.memory_space<vmem>>) offsets(%dma_start3A_46 : memref<128xi32, #tpu.memory_space<vmem>>) semaphore(%arg7 : memref<!tpu.dma_semaphore, #tpu.memory_space<semaphore_mem>>)
    %dma_start3A_50 = arith.constant 5 : i32
    %dma_start3A_51 = arith.constant 640 : i32
    %dma_start3A_52 = arith.constant 0 : i32
    %dma_start3A_53 = tpu.memref_slice %arg6[%dma_start3A_51, %dma_start3A_52] : memref<768x128xf32, #tpu.memory_space<vmem>> -> memref<128x128xf32, #tpu.memory_space<vmem>>
    %dma_start3A_54 = arith.constant 0 : i32
    %dma_start3A_55 = tpu.memref_slice %arg5[%dma_start3A_50, %dma_start3A_54] : memref<6x128xi32, #tpu.memory_space<vmem>> -> memref<1x128xi32, #tpu.memory_space<vmem>>
    %dma_start3A_56 = tpu.memref_squeeze %dma_start3A_55 : memref<1x128xi32, #tpu.memory_space<vmem>> -> memref<128xi32, #tpu.memory_space<vmem>>
    %dma_start3A_57 = arith.constant 0 : i32
    %dma_start3A_58 = arith.constant 0 : i32
    %dma_start3A_59 = tpu.memref_slice %arg2[%dma_start3A_57, %dma_start3A_58] : memref<100000x128xf32, #tpu.memory_space<hbm>> -> memref<100000x128xf32, #tpu.memory_space<hbm>>
    tpu.enqueue_indirect_dma source(%dma_start3A_59 : memref<100000x128xf32, #tpu.memory_space<hbm>>) target(%dma_start3A_53 : memref<128x128xf32, #tpu.memory_space<vmem>>) offsets(%dma_start3A_56 : memref<128xi32, #tpu.memory_space<vmem>>) semaphore(%arg7 : memref<!tpu.dma_semaphore, #tpu.memory_space<semaphore_mem>>)
    %dma_wait3A = arith.constant 0 : i32
    %dma_wait3A_60 = arith.constant 0 : i32
    %dma_wait3A_61 = arith.constant 0 : i32
    %dma_wait3A_62 = tpu.memref_slice %arg6[%dma_wait3A_60, %dma_wait3A_61] : memref<768x128xf32, #tpu.memory_space<vmem>> -> memref<128x128xf32, #tpu.memory_space<vmem>>
    %dma_wait3A_63 = arith.constant 0 : i32
    %dma_wait3A_64 = tpu.memref_slice %arg5[%dma_wait3A, %dma_wait3A_63] : memref<6x128xi32, #tpu.memory_space<vmem>> -> memref<1x128xi32, #tpu.memory_space<vmem>>
    %dma_wait3A_65 = tpu.memref_squeeze %dma_wait3A_64 : memref<1x128xi32, #tpu.memory_space<vmem>> -> memref<128xi32, #tpu.memory_space<vmem>>
    %dma_wait3A_66 = arith.constant 0 : i32
    %dma_wait3A_67 = arith.constant 0 : i32
    %dma_wait3A_68 = tpu.memref_slice %arg2[%dma_wait3A_66, %dma_wait3A_67] : memref<100000x128xf32, #tpu.memory_space<hbm>> -> memref<100000x128xf32, #tpu.memory_space<hbm>>
    tpu.wait_indirect_dma semaphore(%arg7 : memref<!tpu.dma_semaphore, #tpu.memory_space<semaphore_mem>>) src(%dma_wait3A_68 : memref<100000x128xf32, #tpu.memory_space<hbm>>) dst(%dma_wait3A_62 : memref<128x128xf32, #tpu.memory_space<vmem>>)
    %dma_wait3A_69 = arith.constant 1 : i32
    %dma_wait3A_70 = arith.constant 128 : i32
    %dma_wait3A_71 = arith.constant 0 : i32
    %dma_wait3A_72 = tpu.memref_slice %arg6[%dma_wait3A_70, %dma_wait3A_71] : memref<768x128xf32, #tpu.memory_space<vmem>> -> memref<128x128xf32, #tpu.memory_space<vmem>>
    %dma_wait3A_73 = arith.constant 0 : i32
    %dma_wait3A_74 = tpu.memref_slice %arg5[%dma_wait3A_69, %dma_wait3A_73] : memref<6x128xi32, #tpu.memory_space<vmem>> -> memref<1x128xi32, #tpu.memory_space<vmem>>
    %dma_wait3A_75 = tpu.memref_squeeze %dma_wait3A_74 : memref<1x128xi32, #tpu.memory_space<vmem>> -> memref<128xi32, #tpu.memory_space<vmem>>
    %dma_wait3A_76 = arith.constant 0 : i32
    %dma_wait3A_77 = arith.constant 0 : i32
    %dma_wait3A_78 = tpu.memref_slice %arg2[%dma_wait3A_76, %dma_wait3A_77] : memref<100000x128xf32, #tpu.memory_space<hbm>> -> memref<100000x128xf32, #tpu.memory_space<hbm>>
    tpu.wait_indirect_dma semaphore(%arg7 : memref<!tpu.dma_semaphore, #tpu.memory_space<semaphore_mem>>) src(%dma_wait3A_78 : memref<100000x128xf32, #tpu.memory_space<hbm>>) dst(%dma_wait3A_72 : memref<128x128xf32, #tpu.memory_space<vmem>>)
    %dma_wait3A_79 = arith.constant 2 : i32
    %dma_wait3A_80 = arith.constant 256 : i32
    %dma_wait3A_81 = arith.constant 0 : i32
    %dma_wait3A_82 = tpu.memref_slice %arg6[%dma_wait3A_80, %dma_wait3A_81] : memref<768x128xf32, #tpu.memory_space<vmem>> -> memref<128x128xf32, #tpu.memory_space<vmem>>
    %dma_wait3A_83 = arith.constant 0 : i32
    %dma_wait3A_84 = tpu.memref_slice %arg5[%dma_wait3A_79, %dma_wait3A_83] : memref<6x128xi32, #tpu.memory_space<vmem>> -> memref<1x128xi32, #tpu.memory_space<vmem>>
    %dma_wait3A_85 = tpu.memref_squeeze %dma_wait3A_84 : memref<1x128xi32, #tpu.memory_space<vmem>> -> memref<128xi32, #tpu.memory_space<vmem>>
    %dma_wait3A_86 = arith.constant 0 : i32
    %dma_wait3A_87 = arith.constant 0 : i32
    %dma_wait3A_88 = tpu.memref_slice %arg2[%dma_wait3A_86, %dma_wait3A_87] : memref<100000x128xf32, #tpu.memory_space<hbm>> -> memref<100000x128xf32, #tpu.memory_space<hbm>>
    tpu.wait_indirect_dma semaphore(%arg7 : memref<!tpu.dma_semaphore, #tpu.memory_space<semaphore_mem>>) src(%dma_wait3A_88 : memref<100000x128xf32, #tpu.memory_space<hbm>>) dst(%dma_wait3A_82 : memref<128x128xf32, #tpu.memory_space<vmem>>)
    %dma_wait3A_89 = arith.constant 3 : i32
    %dma_wait3A_90 = arith.constant 384 : i32
    %dma_wait3A_91 = arith.constant 0 : i32
    %dma_wait3A_92 = tpu.memref_slice %arg6[%dma_wait3A_90, %dma_wait3A_91] : memref<768x128xf32, #tpu.memory_space<vmem>> -> memref<128x128xf32, #tpu.memory_space<vmem>>
    %dma_wait3A_93 = arith.constant 0 : i32
    %dma_wait3A_94 = tpu.memref_slice %arg5[%dma_wait3A_89, %dma_wait3A_93] : memref<6x128xi32, #tpu.memory_space<vmem>> -> memref<1x128xi32, #tpu.memory_space<vmem>>
    %dma_wait3A_95 = tpu.memref_squeeze %dma_wait3A_94 : memref<1x128xi32, #tpu.memory_space<vmem>> -> memref<128xi32, #tpu.memory_space<vmem>>
    %dma_wait3A_96 = arith.constant 0 : i32
    %dma_wait3A_97 = arith.constant 0 : i32
    %dma_wait3A_98 = tpu.memref_slice %arg2[%dma_wait3A_96, %dma_wait3A_97] : memref<100000x128xf32, #tpu.memory_space<hbm>> -> memref<100000x128xf32, #tpu.memory_space<hbm>>
    tpu.wait_indirect_dma semaphore(%arg7 : memref<!tpu.dma_semaphore, #tpu.memory_space<semaphore_mem>>) src(%dma_wait3A_98 : memref<100000x128xf32, #tpu.memory_space<hbm>>) dst(%dma_wait3A_92 : memref<128x128xf32, #tpu.memory_space<vmem>>)
    %dma_wait3A_99 = arith.constant 4 : i32
    %dma_wait3A_100 = arith.constant 512 : i32
    %dma_wait3A_101 = arith.constant 0 : i32
    %dma_wait3A_102 = tpu.memref_slice %arg6[%dma_wait3A_100, %dma_wait3A_101] : memref<768x128xf32, #tpu.memory_space<vmem>> -> memref<128x128xf32, #tpu.memory_space<vmem>>
    %dma_wait3A_103 = arith.constant 0 : i32
    %dma_wait3A_104 = tpu.memref_slice %arg5[%dma_wait3A_99, %dma_wait3A_103] : memref<6x128xi32, #tpu.memory_space<vmem>> -> memref<1x128xi32, #tpu.memory_space<vmem>>
    %dma_wait3A_105 = tpu.memref_squeeze %dma_wait3A_104 : memref<1x128xi32, #tpu.memory_space<vmem>> -> memref<128xi32, #tpu.memory_space<vmem>>
    %dma_wait3A_106 = arith.constant 0 : i32
    %dma_wait3A_107 = arith.constant 0 : i32
    %dma_wait3A_108 = tpu.memref_slice %arg2[%dma_wait3A_106, %dma_wait3A_107] : memref<100000x128xf32, #tpu.memory_space<hbm>> -> memref<100000x128xf32, #tpu.memory_space<hbm>>
    tpu.wait_indirect_dma semaphore(%arg7 : memref<!tpu.dma_semaphore, #tpu.memory_space<semaphore_mem>>) src(%dma_wait3A_108 : memref<100000x128xf32, #tpu.memory_space<hbm>>) dst(%dma_wait3A_102 : memref<128x128xf32, #tpu.memory_space<vmem>>)
    %dma_wait3A_109 = arith.constant 5 : i32
    %dma_wait3A_110 = arith.constant 640 : i32
    %dma_wait3A_111 = arith.constant 0 : i32
    %dma_wait3A_112 = tpu.memref_slice %arg6[%dma_wait3A_110, %dma_wait3A_111] : memref<768x128xf32, #tpu.memory_space<vmem>> -> memref<128x128xf32, #tpu.memory_space<vmem>>
    %dma_wait3A_113 = arith.constant 0 : i32
    %dma_wait3A_114 = tpu.memref_slice %arg5[%dma_wait3A_109, %dma_wait3A_113] : memref<6x128xi32, #tpu.memory_space<vmem>> -> memref<1x128xi32, #tpu.memory_space<vmem>>
    %dma_wait3A_115 = tpu.memref_squeeze %dma_wait3A_114 : memref<1x128xi32, #tpu.memory_space<vmem>> -> memref<128xi32, #tpu.memory_space<vmem>>
    %dma_wait3A_116 = arith.constant 0 : i32
    %dma_wait3A_117 = arith.constant 0 : i32
    %dma_wait3A_118 = tpu.memref_slice %arg2[%dma_wait3A_116, %dma_wait3A_117] : memref<100000x128xf32, #tpu.memory_space<hbm>> -> memref<100000x128xf32, #tpu.memory_space<hbm>>
    tpu.wait_indirect_dma semaphore(%arg7 : memref<!tpu.dma_semaphore, #tpu.memory_space<semaphore_mem>>) src(%dma_wait3A_118 : memref<100000x128xf32, #tpu.memory_space<hbm>>) dst(%dma_wait3A_112 : memref<128x128xf32, #tpu.memory_space<vmem>>)
    %mul3A_119 = arith.constant 768 : i32
    %mul3A_120 = arith.muli %add3A, %mul3A_119 : i32
    "tpu.region"() ({
      %run_scoped3A = tpu.sem_alloc : memref<!tpu.dma_semaphore, #tpu.memory_space<semaphore_mem>>
      %dma_start3A_121 = arith.constant 0 : i32
      %dma_start3A_122 = tpu.memref_slice %arg4[%mul3A_120, %dma_start3A_121] : memref<24576x128xf32, #tpu.memory_space<hbm>> -> memref<768x128xf32, #tpu.memory_space<hbm>>
      %dma_start3A_123 = arith.constant 0 : i32
      %dma_start3A_124 = tpu.memref_slice %arg4[%mul3A_120, %dma_start3A_123] : memref<24576x128xf32, #tpu.memory_space<hbm>> -> memref<768x128xf32, #tpu.memory_space<hbm>>
      tpu.enqueue_dma source(%arg6 : memref<768x128xf32, #tpu.memory_space<vmem>>) target(%dma_start3A_124 : memref<768x128xf32, #tpu.memory_space<hbm>>) target_semaphore(%run_scoped3A : memref<!tpu.dma_semaphore, #tpu.memory_space<semaphore_mem>>)
      %dma_wait3A_125 = arith.constant 0 : i32
      %dma_wait3A_126 = tpu.memref_slice %arg4[%mul3A_120, %dma_wait3A_125] : memref<24576x128xf32, #tpu.memory_space<hbm>> -> memref<768x128xf32, #tpu.memory_space<hbm>>
      %dma_wait3A_127 = arith.constant 0 : i32
      %dma_wait3A_128 = tpu.memref_slice %arg4[%mul3A_120, %dma_wait3A_127] : memref<24576x128xf32, #tpu.memory_space<hbm>> -> memref<768x128xf32, #tpu.memory_space<hbm>>
      tpu.wait_dma2 semaphore(%run_scoped3A : memref<!tpu.dma_semaphore, #tpu.memory_space<semaphore_mem>>) src(%arg6 : memref<768x128xf32, #tpu.memory_space<vmem>>) dst(%dma_wait3A_128 : memref<768x128xf32, #tpu.memory_space<hbm>>)
      tpu.yield
    }) : () -> ()
    return
  }
}

module attributes {stable_mosaic.version = 14 : i64} {
  func.func @body(%arg0: i32, %arg1: memref<3x1024x128xf32, #tpu.memory_space<vmem>>, %arg2: memref<1024x1xi32, #tpu.memory_space<vmem>>, %arg3: memref<16x128xf32, #tpu.memory_space<vmem>>, %arg4: memref<128x2048xbf16, #tpu.memory_space<vmem>>, %arg5: memref<1x1xf32, #tpu.memory_space<vmem>>) attributes {dimension_semantics = [#tpu.dimension_semantics<arbitrary>], iteration_bounds = array<i64: 8>, scalar_prefetch = 0 : i64, scratch_operands = 0 : i64, tpu.core_type = #tpu.core_type<tc>, window_params = [{transform_indices = @transform_0, window_bounds = array<i64: 3, 1024, 128>}, {transform_indices = @transform_1, window_bounds = array<i64: 1024, 1>}, {pipeline_mode = #tpu.pipeline_mode<synchronous>, transform_indices = @transform_2, window_bounds = array<i64: 16, 128>}, {pipeline_mode = #tpu.pipeline_mode<synchronous>, transform_indices = @transform_3, window_bounds = array<i64: 128, 2048>}, {pipeline_mode = #tpu.pipeline_mode<synchronous>, transform_indices = @transform_4, window_bounds = array<i64: 1, 1>}]} {
    %get3A = arith.constant 0 : index
    %get3A_0 = arith.constant 0 : index
    %get3A_1 = arith.constant 0 : index
    %get3A_2 = vector.load %arg1[%get3A, %get3A_0, %get3A_1] : memref<3x1024x128xf32, #tpu.memory_space<vmem>>, vector<3x1024x128xf32>
    %reshape3A = vector.shape_cast %get3A_2 : vector<3x1024x128xf32> to vector<3072x128xf32>
    %convert_element_type3A = arith.truncf %reshape3A : vector<3072x128xf32> to vector<3072x128xbf16>
    %get3A_3 = arith.constant 0 : index
    %get3A_4 = arith.constant 0 : index
    %get3A_5 = vector.load %arg4[%get3A_3, %get3A_4] : memref<128x2048xbf16, #tpu.memory_space<vmem>>, vector<128x2048xbf16>
    %dot_general3A = arith.constant dense<0.000000e+00> : vector<3072x2048xf32>
    %dot_general3A_6 = tpu.matmul %convert_element_type3A, %get3A_5, %dot_general3A {dimension_numbers = #tpu.dot_dimension_numbers<[1], [0], [0], [1], [0, 0, 1, 1], [], []>, transpose_lhs_hint = false} : vector<3072x128xbf16>, vector<128x2048xbf16>, vector<3072x2048xf32> -> vector<3072x2048xf32>
    %get3A_7 = arith.constant 0 : index
    %get3A_8 = arith.constant 0 : index
    %get3A_9 = vector.load %arg2[%get3A_7, %get3A_8] : memref<1024x1xi32, #tpu.memory_space<vmem>>, vector<1024x1xi32>
    %concatenate3A = tpu.concatenate %get3A_9, %get3A_9, %get3A_9 in 0 : vector<1024x1xi32>, vector<1024x1xi32>, vector<1024x1xi32> -> vector<3072x1xi32>
    %slice3A = vector.extract_strided_slice %dot_general3A_6 {offsets = [0, 0], sizes = [3072, 128], strides = [1, 1]} : vector<3072x2048xf32> to vector<3072x128xf32>
    %slice3A_10 = vector.extract_strided_slice %dot_general3A_6 {offsets = [0, 128], sizes = [3072, 128], strides = [1, 1]} : vector<3072x2048xf32> to vector<3072x128xf32>
    %slice3A_11 = vector.extract_strided_slice %dot_general3A_6 {offsets = [0, 256], sizes = [3072, 128], strides = [1, 1]} : vector<3072x2048xf32> to vector<3072x128xf32>
    %slice3A_12 = vector.extract_strided_slice %dot_general3A_6 {offsets = [0, 384], sizes = [3072, 128], strides = [1, 1]} : vector<3072x2048xf32> to vector<3072x128xf32>
    %slice3A_13 = vector.extract_strided_slice %dot_general3A_6 {offsets = [0, 512], sizes = [3072, 128], strides = [1, 1]} : vector<3072x2048xf32> to vector<3072x128xf32>
    %slice3A_14 = vector.extract_strided_slice %dot_general3A_6 {offsets = [0, 640], sizes = [3072, 128], strides = [1, 1]} : vector<3072x2048xf32> to vector<3072x128xf32>
    %slice3A_15 = vector.extract_strided_slice %dot_general3A_6 {offsets = [0, 768], sizes = [3072, 128], strides = [1, 1]} : vector<3072x2048xf32> to vector<3072x128xf32>
    %slice3A_16 = vector.extract_strided_slice %dot_general3A_6 {offsets = [0, 896], sizes = [3072, 128], strides = [1, 1]} : vector<3072x2048xf32> to vector<3072x128xf32>
    %slice3A_17 = vector.extract_strided_slice %dot_general3A_6 {offsets = [0, 1024], sizes = [3072, 128], strides = [1, 1]} : vector<3072x2048xf32> to vector<3072x128xf32>
    %slice3A_18 = vector.extract_strided_slice %dot_general3A_6 {offsets = [0, 1152], sizes = [3072, 128], strides = [1, 1]} : vector<3072x2048xf32> to vector<3072x128xf32>
    %slice3A_19 = vector.extract_strided_slice %dot_general3A_6 {offsets = [0, 1280], sizes = [3072, 128], strides = [1, 1]} : vector<3072x2048xf32> to vector<3072x128xf32>
    %slice3A_20 = vector.extract_strided_slice %dot_general3A_6 {offsets = [0, 1408], sizes = [3072, 128], strides = [1, 1]} : vector<3072x2048xf32> to vector<3072x128xf32>
    %slice3A_21 = vector.extract_strided_slice %dot_general3A_6 {offsets = [0, 1536], sizes = [3072, 128], strides = [1, 1]} : vector<3072x2048xf32> to vector<3072x128xf32>
    %slice3A_22 = vector.extract_strided_slice %dot_general3A_6 {offsets = [0, 1664], sizes = [3072, 128], strides = [1, 1]} : vector<3072x2048xf32> to vector<3072x128xf32>
    %slice3A_23 = vector.extract_strided_slice %dot_general3A_6 {offsets = [0, 1792], sizes = [3072, 128], strides = [1, 1]} : vector<3072x2048xf32> to vector<3072x128xf32>
    %slice3A_24 = vector.extract_strided_slice %dot_general3A_6 {offsets = [0, 1920], sizes = [3072, 128], strides = [1, 1]} : vector<3072x2048xf32> to vector<3072x128xf32>
    %get3A_25 = arith.constant 0 : index
    %get3A_26 = arith.constant 0 : index
    %get3A_27 = vector.load %arg3[%get3A_25, %get3A_26] : memref<16x128xf32, #tpu.memory_space<vmem>>, vector<16x128xf32>
    %mul3A = arith.mulf %get3A_27, %get3A_27 : vector<16x128xf32>
    %reduce_sum3A = arith.constant dense<0.000000e+00> : vector<16xf32>
    %reduce_sum3A_28 = vector.multi_reduction <add>, %mul3A, %reduce_sum3A [1] : vector<16x128xf32> to vector<16xf32>
    %broadcast_in_dim3A = vector.shape_cast %reduce_sum3A_28 : vector<16xf32> to vector<16x1xf32>
    %max3A = arith.constant 1.000000e-24 : f32
    %max3A_29 = vector.broadcast %max3A : f32 to vector<16x1xf32>
    %max3A_30 = arith.maximumf %broadcast_in_dim3A, %max3A_29 : vector<16x1xf32>
    %rsqrt3A = math.rsqrt %max3A_30 : vector<16x1xf32>
    %mul3A_31 = vector.broadcast %rsqrt3A : vector<16x1xf32> to vector<16x128xf32>
    %mul3A_32 = arith.mulf %get3A_27, %mul3A_31 : vector<16x128xf32>
    %slice3A_33 = vector.extract_strided_slice %mul3A_32 {offsets = [0, 0], sizes = [1, 128], strides = [1, 1]} : vector<16x128xf32> to vector<1x128xf32>
    %slice3A_34 = vector.extract_strided_slice %mul3A_32 {offsets = [1, 0], sizes = [1, 128], strides = [1, 1]} : vector<16x128xf32> to vector<1x128xf32>
    %slice3A_35 = vector.extract_strided_slice %mul3A_32 {offsets = [2, 0], sizes = [1, 128], strides = [1, 1]} : vector<16x128xf32> to vector<1x128xf32>
    %slice3A_36 = vector.extract_strided_slice %mul3A_32 {offsets = [3, 0], sizes = [1, 128], strides = [1, 1]} : vector<16x128xf32> to vector<1x128xf32>
    %slice3A_37 = vector.extract_strided_slice %mul3A_32 {offsets = [4, 0], sizes = [1, 128], strides = [1, 1]} : vector<16x128xf32> to vector<1x128xf32>
    %slice3A_38 = vector.extract_strided_slice %mul3A_32 {offsets = [5, 0], sizes = [1, 128], strides = [1, 1]} : vector<16x128xf32> to vector<1x128xf32>
    %slice3A_39 = vector.extract_strided_slice %mul3A_32 {offsets = [6, 0], sizes = [1, 128], strides = [1, 1]} : vector<16x128xf32> to vector<1x128xf32>
    %slice3A_40 = vector.extract_strided_slice %mul3A_32 {offsets = [7, 0], sizes = [1, 128], strides = [1, 1]} : vector<16x128xf32> to vector<1x128xf32>
    %slice3A_41 = vector.extract_strided_slice %mul3A_32 {offsets = [8, 0], sizes = [1, 128], strides = [1, 1]} : vector<16x128xf32> to vector<1x128xf32>
    %slice3A_42 = vector.extract_strided_slice %mul3A_32 {offsets = [9, 0], sizes = [1, 128], strides = [1, 1]} : vector<16x128xf32> to vector<1x128xf32>
    %slice3A_43 = vector.extract_strided_slice %mul3A_32 {offsets = [10, 0], sizes = [1, 128], strides = [1, 1]} : vector<16x128xf32> to vector<1x128xf32>
    %slice3A_44 = vector.extract_strided_slice %mul3A_32 {offsets = [11, 0], sizes = [1, 128], strides = [1, 1]} : vector<16x128xf32> to vector<1x128xf32>
    %slice3A_45 = vector.extract_strided_slice %mul3A_32 {offsets = [12, 0], sizes = [1, 128], strides = [1, 1]} : vector<16x128xf32> to vector<1x128xf32>
    %slice3A_46 = vector.extract_strided_slice %mul3A_32 {offsets = [13, 0], sizes = [1, 128], strides = [1, 1]} : vector<16x128xf32> to vector<1x128xf32>
    %slice3A_47 = vector.extract_strided_slice %mul3A_32 {offsets = [14, 0], sizes = [1, 128], strides = [1, 1]} : vector<16x128xf32> to vector<1x128xf32>
    %slice3A_48 = vector.extract_strided_slice %mul3A_32 {offsets = [15, 0], sizes = [1, 128], strides = [1, 1]} : vector<16x128xf32> to vector<1x128xf32>
    %and3A = arith.constant 1 : i32
    %and3A_49 = vector.broadcast %and3A : i32 to vector<3072x1xi32>
    %and3A_50 = arith.andi %concatenate3A, %and3A_49 : vector<3072x1xi32>
    %ne3A = arith.constant 0 : i32
    %ne3A_51 = vector.broadcast %ne3A : i32 to vector<3072x1xi32>
    %ne3A_52 = arith.cmpi ne, %and3A_50, %ne3A_51 : vector<3072x1xi32>
    %and3A_53 = arith.constant 1 : i32
    %and3A_54 = vector.broadcast %and3A_53 : i32 to vector<1024x1xi32>
    %and3A_55 = arith.andi %get3A_9, %and3A_54 : vector<1024x1xi32>
    %ne3A_56 = arith.constant 0 : i32
    %ne3A_57 = vector.broadcast %ne3A_56 : i32 to vector<1024x1xi32>
    %ne3A_58 = arith.cmpi ne, %and3A_55, %ne3A_57 : vector<1024x1xi32>
    %broadcast_in_dim3A_59 = vector.shape_cast %ne3A_52 : vector<3072x1xi1> to vector<3072x1xi1>
    %broadcast_in_dim3A_60 = vector.broadcast %broadcast_in_dim3A_59 : vector<3072x1xi1> to vector<3072x128xi1>
    %select_n3A = arith.select %broadcast_in_dim3A_60, %slice3A_10, %slice3A : vector<3072x128xi1>, vector<3072x128xf32>
    %broadcast_in_dim3A_61 = vector.shape_cast %ne3A_52 : vector<3072x1xi1> to vector<3072x1xi1>
    %broadcast_in_dim3A_62 = vector.broadcast %broadcast_in_dim3A_61 : vector<3072x1xi1> to vector<3072x128xi1>
    %select_n3A_63 = arith.select %broadcast_in_dim3A_62, %slice3A_12, %slice3A_11 : vector<3072x128xi1>, vector<3072x128xf32>
    %broadcast_in_dim3A_64 = vector.shape_cast %ne3A_52 : vector<3072x1xi1> to vector<3072x1xi1>
    %broadcast_in_dim3A_65 = vector.broadcast %broadcast_in_dim3A_64 : vector<3072x1xi1> to vector<3072x128xi1>
    %select_n3A_66 = arith.select %broadcast_in_dim3A_65, %slice3A_14, %slice3A_13 : vector<3072x128xi1>, vector<3072x128xf32>
    %broadcast_in_dim3A_67 = vector.shape_cast %ne3A_52 : vector<3072x1xi1> to vector<3072x1xi1>
    %broadcast_in_dim3A_68 = vector.broadcast %broadcast_in_dim3A_67 : vector<3072x1xi1> to vector<3072x128xi1>
    %select_n3A_69 = arith.select %broadcast_in_dim3A_68, %slice3A_16, %slice3A_15 : vector<3072x128xi1>, vector<3072x128xf32>
    %broadcast_in_dim3A_70 = vector.shape_cast %ne3A_52 : vector<3072x1xi1> to vector<3072x1xi1>
    %broadcast_in_dim3A_71 = vector.broadcast %broadcast_in_dim3A_70 : vector<3072x1xi1> to vector<3072x128xi1>
    %select_n3A_72 = arith.select %broadcast_in_dim3A_71, %slice3A_18, %slice3A_17 : vector<3072x128xi1>, vector<3072x128xf32>
    %broadcast_in_dim3A_73 = vector.shape_cast %ne3A_52 : vector<3072x1xi1> to vector<3072x1xi1>
    %broadcast_in_dim3A_74 = vector.broadcast %broadcast_in_dim3A_73 : vector<3072x1xi1> to vector<3072x128xi1>
    %select_n3A_75 = arith.select %broadcast_in_dim3A_74, %slice3A_20, %slice3A_19 : vector<3072x128xi1>, vector<3072x128xf32>
    %broadcast_in_dim3A_76 = vector.shape_cast %ne3A_52 : vector<3072x1xi1> to vector<3072x1xi1>
    %broadcast_in_dim3A_77 = vector.broadcast %broadcast_in_dim3A_76 : vector<3072x1xi1> to vector<3072x128xi1>
    %select_n3A_78 = arith.select %broadcast_in_dim3A_77, %slice3A_22, %slice3A_21 : vector<3072x128xi1>, vector<3072x128xf32>
    %broadcast_in_dim3A_79 = vector.shape_cast %ne3A_52 : vector<3072x1xi1> to vector<3072x1xi1>
    %broadcast_in_dim3A_80 = vector.broadcast %broadcast_in_dim3A_79 : vector<3072x1xi1> to vector<3072x128xi1>
    %select_n3A_81 = arith.select %broadcast_in_dim3A_80, %slice3A_24, %slice3A_23 : vector<3072x128xi1>, vector<3072x128xf32>
    %broadcast_in_dim3A_82 = vector.shape_cast %ne3A_58 : vector<1024x1xi1> to vector<1024x1xi1>
    %broadcast_in_dim3A_83 = vector.broadcast %broadcast_in_dim3A_82 : vector<1024x1xi1> to vector<1024x128xi1>
    %broadcast_in_dim3A_84 = vector.shape_cast %slice3A_34 : vector<1x128xf32> to vector<1x128xf32>
    %broadcast_in_dim3A_85 = vector.broadcast %broadcast_in_dim3A_84 : vector<1x128xf32> to vector<1024x128xf32>
    %broadcast_in_dim3A_86 = vector.shape_cast %slice3A_33 : vector<1x128xf32> to vector<1x128xf32>
    %broadcast_in_dim3A_87 = vector.broadcast %broadcast_in_dim3A_86 : vector<1x128xf32> to vector<1024x128xf32>
    %select_n3A_88 = arith.select %broadcast_in_dim3A_83, %broadcast_in_dim3A_85, %broadcast_in_dim3A_87 : vector<1024x128xi1>, vector<1024x128xf32>
    %broadcast_in_dim3A_89 = vector.shape_cast %ne3A_58 : vector<1024x1xi1> to vector<1024x1xi1>
    %broadcast_in_dim3A_90 = vector.broadcast %broadcast_in_dim3A_89 : vector<1024x1xi1> to vector<1024x128xi1>
    %broadcast_in_dim3A_91 = vector.shape_cast %slice3A_36 : vector<1x128xf32> to vector<1x128xf32>
    %broadcast_in_dim3A_92 = vector.broadcast %broadcast_in_dim3A_91 : vector<1x128xf32> to vector<1024x128xf32>
    %broadcast_in_dim3A_93 = vector.shape_cast %slice3A_35 : vector<1x128xf32> to vector<1x128xf32>
    %broadcast_in_dim3A_94 = vector.broadcast %broadcast_in_dim3A_93 : vector<1x128xf32> to vector<1024x128xf32>
    %select_n3A_95 = arith.select %broadcast_in_dim3A_90, %broadcast_in_dim3A_92, %broadcast_in_dim3A_94 : vector<1024x128xi1>, vector<1024x128xf32>
    %broadcast_in_dim3A_96 = vector.shape_cast %ne3A_58 : vector<1024x1xi1> to vector<1024x1xi1>
    %broadcast_in_dim3A_97 = vector.broadcast %broadcast_in_dim3A_96 : vector<1024x1xi1> to vector<1024x128xi1>
    %broadcast_in_dim3A_98 = vector.shape_cast %slice3A_38 : vector<1x128xf32> to vector<1x128xf32>
    %broadcast_in_dim3A_99 = vector.broadcast %broadcast_in_dim3A_98 : vector<1x128xf32> to vector<1024x128xf32>
    %broadcast_in_dim3A_100 = vector.shape_cast %slice3A_37 : vector<1x128xf32> to vector<1x128xf32>
    %broadcast_in_dim3A_101 = vector.broadcast %broadcast_in_dim3A_100 : vector<1x128xf32> to vector<1024x128xf32>
    %select_n3A_102 = arith.select %broadcast_in_dim3A_97, %broadcast_in_dim3A_99, %broadcast_in_dim3A_101 : vector<1024x128xi1>, vector<1024x128xf32>
    %broadcast_in_dim3A_103 = vector.shape_cast %ne3A_58 : vector<1024x1xi1> to vector<1024x1xi1>
    %broadcast_in_dim3A_104 = vector.broadcast %broadcast_in_dim3A_103 : vector<1024x1xi1> to vector<1024x128xi1>
    %broadcast_in_dim3A_105 = vector.shape_cast %slice3A_40 : vector<1x128xf32> to vector<1x128xf32>
    %broadcast_in_dim3A_106 = vector.broadcast %broadcast_in_dim3A_105 : vector<1x128xf32> to vector<1024x128xf32>
    %broadcast_in_dim3A_107 = vector.shape_cast %slice3A_39 : vector<1x128xf32> to vector<1x128xf32>
    %broadcast_in_dim3A_108 = vector.broadcast %broadcast_in_dim3A_107 : vector<1x128xf32> to vector<1024x128xf32>
    %select_n3A_109 = arith.select %broadcast_in_dim3A_104, %broadcast_in_dim3A_106, %broadcast_in_dim3A_108 : vector<1024x128xi1>, vector<1024x128xf32>
    %broadcast_in_dim3A_110 = vector.shape_cast %ne3A_58 : vector<1024x1xi1> to vector<1024x1xi1>
    %broadcast_in_dim3A_111 = vector.broadcast %broadcast_in_dim3A_110 : vector<1024x1xi1> to vector<1024x128xi1>
    %broadcast_in_dim3A_112 = vector.shape_cast %slice3A_42 : vector<1x128xf32> to vector<1x128xf32>
    %broadcast_in_dim3A_113 = vector.broadcast %broadcast_in_dim3A_112 : vector<1x128xf32> to vector<1024x128xf32>
    %broadcast_in_dim3A_114 = vector.shape_cast %slice3A_41 : vector<1x128xf32> to vector<1x128xf32>
    %broadcast_in_dim3A_115 = vector.broadcast %broadcast_in_dim3A_114 : vector<1x128xf32> to vector<1024x128xf32>
    %select_n3A_116 = arith.select %broadcast_in_dim3A_111, %broadcast_in_dim3A_113, %broadcast_in_dim3A_115 : vector<1024x128xi1>, vector<1024x128xf32>
    %broadcast_in_dim3A_117 = vector.shape_cast %ne3A_58 : vector<1024x1xi1> to vector<1024x1xi1>
    %broadcast_in_dim3A_118 = vector.broadcast %broadcast_in_dim3A_117 : vector<1024x1xi1> to vector<1024x128xi1>
    %broadcast_in_dim3A_119 = vector.shape_cast %slice3A_44 : vector<1x128xf32> to vector<1x128xf32>
    %broadcast_in_dim3A_120 = vector.broadcast %broadcast_in_dim3A_119 : vector<1x128xf32> to vector<1024x128xf32>
    %broadcast_in_dim3A_121 = vector.shape_cast %slice3A_43 : vector<1x128xf32> to vector<1x128xf32>
    %broadcast_in_dim3A_122 = vector.broadcast %broadcast_in_dim3A_121 : vector<1x128xf32> to vector<1024x128xf32>
    %select_n3A_123 = arith.select %broadcast_in_dim3A_118, %broadcast_in_dim3A_120, %broadcast_in_dim3A_122 : vector<1024x128xi1>, vector<1024x128xf32>
    %broadcast_in_dim3A_124 = vector.shape_cast %ne3A_58 : vector<1024x1xi1> to vector<1024x1xi1>
    %broadcast_in_dim3A_125 = vector.broadcast %broadcast_in_dim3A_124 : vector<1024x1xi1> to vector<1024x128xi1>
    %broadcast_in_dim3A_126 = vector.shape_cast %slice3A_46 : vector<1x128xf32> to vector<1x128xf32>
    %broadcast_in_dim3A_127 = vector.broadcast %broadcast_in_dim3A_126 : vector<1x128xf32> to vector<1024x128xf32>
    %broadcast_in_dim3A_128 = vector.shape_cast %slice3A_45 : vector<1x128xf32> to vector<1x128xf32>
    %broadcast_in_dim3A_129 = vector.broadcast %broadcast_in_dim3A_128 : vector<1x128xf32> to vector<1024x128xf32>
    %select_n3A_130 = arith.select %broadcast_in_dim3A_125, %broadcast_in_dim3A_127, %broadcast_in_dim3A_129 : vector<1024x128xi1>, vector<1024x128xf32>
    %broadcast_in_dim3A_131 = vector.shape_cast %ne3A_58 : vector<1024x1xi1> to vector<1024x1xi1>
    %broadcast_in_dim3A_132 = vector.broadcast %broadcast_in_dim3A_131 : vector<1024x1xi1> to vector<1024x128xi1>
    %broadcast_in_dim3A_133 = vector.shape_cast %slice3A_48 : vector<1x128xf32> to vector<1x128xf32>
    %broadcast_in_dim3A_134 = vector.broadcast %broadcast_in_dim3A_133 : vector<1x128xf32> to vector<1024x128xf32>
    %broadcast_in_dim3A_135 = vector.shape_cast %slice3A_47 : vector<1x128xf32> to vector<1x128xf32>
    %broadcast_in_dim3A_136 = vector.broadcast %broadcast_in_dim3A_135 : vector<1x128xf32> to vector<1024x128xf32>
    %select_n3A_137 = arith.select %broadcast_in_dim3A_132, %broadcast_in_dim3A_134, %broadcast_in_dim3A_136 : vector<1024x128xi1>, vector<1024x128xf32>
    %and3A_138 = arith.constant 2 : i32
    %and3A_139 = vector.broadcast %and3A_138 : i32 to vector<3072x1xi32>
    %and3A_140 = arith.andi %concatenate3A, %and3A_139 : vector<3072x1xi32>
    %ne3A_141 = arith.constant 0 : i32
    %ne3A_142 = vector.broadcast %ne3A_141 : i32 to vector<3072x1xi32>
    %ne3A_143 = arith.cmpi ne, %and3A_140, %ne3A_142 : vector<3072x1xi32>
    %and3A_144 = arith.constant 2 : i32
    %and3A_145 = vector.broadcast %and3A_144 : i32 to vector<1024x1xi32>
    %and3A_146 = arith.andi %get3A_9, %and3A_145 : vector<1024x1xi32>
    %ne3A_147 = arith.constant 0 : i32
    %ne3A_148 = vector.broadcast %ne3A_147 : i32 to vector<1024x1xi32>
    %ne3A_149 = arith.cmpi ne, %and3A_146, %ne3A_148 : vector<1024x1xi32>
    %broadcast_in_dim3A_150 = vector.shape_cast %ne3A_143 : vector<3072x1xi1> to vector<3072x1xi1>
    %broadcast_in_dim3A_151 = vector.broadcast %broadcast_in_dim3A_150 : vector<3072x1xi1> to vector<3072x128xi1>
    %select_n3A_152 = arith.select %broadcast_in_dim3A_151, %select_n3A_63, %select_n3A : vector<3072x128xi1>, vector<3072x128xf32>
    %broadcast_in_dim3A_153 = vector.shape_cast %ne3A_143 : vector<3072x1xi1> to vector<3072x1xi1>
    %broadcast_in_dim3A_154 = vector.broadcast %broadcast_in_dim3A_153 : vector<3072x1xi1> to vector<3072x128xi1>
    %select_n3A_155 = arith.select %broadcast_in_dim3A_154, %select_n3A_69, %select_n3A_66 : vector<3072x128xi1>, vector<3072x128xf32>
    %broadcast_in_dim3A_156 = vector.shape_cast %ne3A_143 : vector<3072x1xi1> to vector<3072x1xi1>
    %broadcast_in_dim3A_157 = vector.broadcast %broadcast_in_dim3A_156 : vector<3072x1xi1> to vector<3072x128xi1>
    %select_n3A_158 = arith.select %broadcast_in_dim3A_157, %select_n3A_75, %select_n3A_72 : vector<3072x128xi1>, vector<3072x128xf32>
    %broadcast_in_dim3A_159 = vector.shape_cast %ne3A_143 : vector<3072x1xi1> to vector<3072x1xi1>
    %broadcast_in_dim3A_160 = vector.broadcast %broadcast_in_dim3A_159 : vector<3072x1xi1> to vector<3072x128xi1>
    %select_n3A_161 = arith.select %broadcast_in_dim3A_160, %select_n3A_81, %select_n3A_78 : vector<3072x128xi1>, vector<3072x128xf32>
    %broadcast_in_dim3A_162 = vector.shape_cast %ne3A_149 : vector<1024x1xi1> to vector<1024x1xi1>
    %broadcast_in_dim3A_163 = vector.broadcast %broadcast_in_dim3A_162 : vector<1024x1xi1> to vector<1024x128xi1>
    %select_n3A_164 = arith.select %broadcast_in_dim3A_163, %select_n3A_95, %select_n3A_88 : vector<1024x128xi1>, vector<1024x128xf32>
    %broadcast_in_dim3A_165 = vector.shape_cast %ne3A_149 : vector<1024x1xi1> to vector<1024x1xi1>
    %broadcast_in_dim3A_166 = vector.broadcast %broadcast_in_dim3A_165 : vector<1024x1xi1> to vector<1024x128xi1>
    %select_n3A_167 = arith.select %broadcast_in_dim3A_166, %select_n3A_109, %select_n3A_102 : vector<1024x128xi1>, vector<1024x128xf32>
    %broadcast_in_dim3A_168 = vector.shape_cast %ne3A_149 : vector<1024x1xi1> to vector<1024x1xi1>
    %broadcast_in_dim3A_169 = vector.broadcast %broadcast_in_dim3A_168 : vector<1024x1xi1> to vector<1024x128xi1>
    %select_n3A_170 = arith.select %broadcast_in_dim3A_169, %select_n3A_123, %select_n3A_116 : vector<1024x128xi1>, vector<1024x128xf32>
    %broadcast_in_dim3A_171 = vector.shape_cast %ne3A_149 : vector<1024x1xi1> to vector<1024x1xi1>
    %broadcast_in_dim3A_172 = vector.broadcast %broadcast_in_dim3A_171 : vector<1024x1xi1> to vector<1024x128xi1>
    %select_n3A_173 = arith.select %broadcast_in_dim3A_172, %select_n3A_137, %select_n3A_130 : vector<1024x128xi1>, vector<1024x128xf32>
    %and3A_174 = arith.constant 4 : i32
    %and3A_175 = vector.broadcast %and3A_174 : i32 to vector<3072x1xi32>
    %and3A_176 = arith.andi %concatenate3A, %and3A_175 : vector<3072x1xi32>
    %ne3A_177 = arith.constant 0 : i32
    %ne3A_178 = vector.broadcast %ne3A_177 : i32 to vector<3072x1xi32>
    %ne3A_179 = arith.cmpi ne, %and3A_176, %ne3A_178 : vector<3072x1xi32>
    %and3A_180 = arith.constant 4 : i32
    %and3A_181 = vector.broadcast %and3A_180 : i32 to vector<1024x1xi32>
    %and3A_182 = arith.andi %get3A_9, %and3A_181 : vector<1024x1xi32>
    %ne3A_183 = arith.constant 0 : i32
    %ne3A_184 = vector.broadcast %ne3A_183 : i32 to vector<1024x1xi32>
    %ne3A_185 = arith.cmpi ne, %and3A_182, %ne3A_184 : vector<1024x1xi32>
    %broadcast_in_dim3A_186 = vector.shape_cast %ne3A_179 : vector<3072x1xi1> to vector<3072x1xi1>
    %broadcast_in_dim3A_187 = vector.broadcast %broadcast_in_dim3A_186 : vector<3072x1xi1> to vector<3072x128xi1>
    %select_n3A_188 = arith.select %broadcast_in_dim3A_187, %select_n3A_155, %select_n3A_152 : vector<3072x128xi1>, vector<3072x128xf32>
    %broadcast_in_dim3A_189 = vector.shape_cast %ne3A_179 : vector<3072x1xi1> to vector<3072x1xi1>
    %broadcast_in_dim3A_190 = vector.broadcast %broadcast_in_dim3A_189 : vector<3072x1xi1> to vector<3072x128xi1>
    %select_n3A_191 = arith.select %broadcast_in_dim3A_190, %select_n3A_161, %select_n3A_158 : vector<3072x128xi1>, vector<3072x128xf32>
    %broadcast_in_dim3A_192 = vector.shape_cast %ne3A_185 : vector<1024x1xi1> to vector<1024x1xi1>
    %broadcast_in_dim3A_193 = vector.broadcast %broadcast_in_dim3A_192 : vector<1024x1xi1> to vector<1024x128xi1>
    %select_n3A_194 = arith.select %broadcast_in_dim3A_193, %select_n3A_167, %select_n3A_164 : vector<1024x128xi1>, vector<1024x128xf32>
    %broadcast_in_dim3A_195 = vector.shape_cast %ne3A_185 : vector<1024x1xi1> to vector<1024x1xi1>
    %broadcast_in_dim3A_196 = vector.broadcast %broadcast_in_dim3A_195 : vector<1024x1xi1> to vector<1024x128xi1>
    %select_n3A_197 = arith.select %broadcast_in_dim3A_196, %select_n3A_173, %select_n3A_170 : vector<1024x128xi1>, vector<1024x128xf32>
    %and3A_198 = arith.constant 8 : i32
    %and3A_199 = vector.broadcast %and3A_198 : i32 to vector<3072x1xi32>
    %and3A_200 = arith.andi %concatenate3A, %and3A_199 : vector<3072x1xi32>
    %ne3A_201 = arith.constant 0 : i32
    %ne3A_202 = vector.broadcast %ne3A_201 : i32 to vector<3072x1xi32>
    %ne3A_203 = arith.cmpi ne, %and3A_200, %ne3A_202 : vector<3072x1xi32>
    %and3A_204 = arith.constant 8 : i32
    %and3A_205 = vector.broadcast %and3A_204 : i32 to vector<1024x1xi32>
    %and3A_206 = arith.andi %get3A_9, %and3A_205 : vector<1024x1xi32>
    %ne3A_207 = arith.constant 0 : i32
    %ne3A_208 = vector.broadcast %ne3A_207 : i32 to vector<1024x1xi32>
    %ne3A_209 = arith.cmpi ne, %and3A_206, %ne3A_208 : vector<1024x1xi32>
    %broadcast_in_dim3A_210 = vector.shape_cast %ne3A_203 : vector<3072x1xi1> to vector<3072x1xi1>
    %broadcast_in_dim3A_211 = vector.broadcast %broadcast_in_dim3A_210 : vector<3072x1xi1> to vector<3072x128xi1>
    %select_n3A_212 = arith.select %broadcast_in_dim3A_211, %select_n3A_191, %select_n3A_188 : vector<3072x128xi1>, vector<3072x128xf32>
    %broadcast_in_dim3A_213 = vector.shape_cast %ne3A_209 : vector<1024x1xi1> to vector<1024x1xi1>
    %broadcast_in_dim3A_214 = vector.broadcast %broadcast_in_dim3A_213 : vector<1024x1xi1> to vector<1024x128xi1>
    %select_n3A_215 = arith.select %broadcast_in_dim3A_214, %select_n3A_197, %select_n3A_194 : vector<1024x128xi1>, vector<1024x128xf32>
    %mul3A_216 = arith.mulf %select_n3A_212, %select_n3A_212 : vector<3072x128xf32>
    %reduce_sum3A_217 = arith.constant dense<0.000000e+00> : vector<3072xf32>
    %reduce_sum3A_218 = vector.multi_reduction <add>, %mul3A_216, %reduce_sum3A_217 [1] : vector<3072x128xf32> to vector<3072xf32>
    %broadcast_in_dim3A_219 = vector.shape_cast %reduce_sum3A_218 : vector<3072xf32> to vector<3072x1xf32>
    %max3A_220 = arith.constant 1.000000e-24 : f32
    %max3A_221 = vector.broadcast %max3A_220 : f32 to vector<3072x1xf32>
    %max3A_222 = arith.maximumf %broadcast_in_dim3A_219, %max3A_221 : vector<3072x1xf32>
    %rsqrt3A_223 = math.rsqrt %max3A_222 : vector<3072x1xf32>
    %mul3A_224 = vector.broadcast %rsqrt3A_223 : vector<3072x1xf32> to vector<3072x128xf32>
    %mul3A_225 = arith.mulf %select_n3A_212, %mul3A_224 : vector<3072x128xf32>
    %slice3A_226 = vector.extract_strided_slice %mul3A_225 {offsets = [0, 0], sizes = [1024, 128], strides = [1, 1]} : vector<3072x128xf32> to vector<1024x128xf32>
    %slice3A_227 = vector.extract_strided_slice %mul3A_225 {offsets = [1024, 0], sizes = [1024, 128], strides = [1, 1]} : vector<3072x128xf32> to vector<1024x128xf32>
    %slice3A_228 = vector.extract_strided_slice %mul3A_225 {offsets = [2048, 0], sizes = [1024, 128], strides = [1, 1]} : vector<3072x128xf32> to vector<1024x128xf32>
    %add3A = arith.addf %slice3A_226, %select_n3A_215 : vector<1024x128xf32>
    %sub3A = arith.subf %add3A, %slice3A_227 : vector<1024x128xf32>
    %integer_pow3A = arith.mulf %sub3A, %sub3A : vector<1024x128xf32>
    %reduce_sum3A_229 = arith.constant dense<0.000000e+00> : vector<1024xf32>
    %reduce_sum3A_230 = vector.multi_reduction <add>, %integer_pow3A, %reduce_sum3A_229 [1] : vector<1024x128xf32> to vector<1024xf32>
    %broadcast_in_dim3A_231 = vector.shape_cast %reduce_sum3A_230 : vector<1024xf32> to vector<1024x1xf32>
    %sub3A_232 = arith.subf %add3A, %slice3A_228 : vector<1024x128xf32>
    %integer_pow3A_233 = arith.mulf %sub3A_232, %sub3A_232 : vector<1024x128xf32>
    %reduce_sum3A_234 = arith.constant dense<0.000000e+00> : vector<1024xf32>
    %reduce_sum3A_235 = vector.multi_reduction <add>, %integer_pow3A_233, %reduce_sum3A_234 [1] : vector<1024x128xf32> to vector<1024xf32>
    %broadcast_in_dim3A_236 = vector.shape_cast %reduce_sum3A_235 : vector<1024xf32> to vector<1024x1xf32>
    %sub3A_237 = arith.subf %broadcast_in_dim3A_231, %broadcast_in_dim3A_236 : vector<1024x1xf32>
    %max3A_238 = arith.constant 0.000000e+00 : f32
    %max3A_239 = vector.broadcast %max3A_238 : f32 to vector<1024x1xf32>
    %max3A_240 = arith.maximumf %sub3A_237, %max3A_239 : vector<1024x1xf32>
    %abs3A = math.absf %sub3A_237 : vector<1024x1xf32>
    %neg3A = arith.constant 0.000000e+00 : f32
    %neg3A_241 = vector.broadcast %neg3A : f32 to vector<1024x1xf32>
    %neg3A_242 = arith.subf %neg3A_241, %abs3A : vector<1024x1xf32>
    %exp3A = math.exp %neg3A_242 : vector<1024x1xf32>
    %add3A_243 = arith.constant 1.000000e+00 : f32
    %add3A_244 = vector.broadcast %add3A_243 : f32 to vector<1024x1xf32>
    %add3A_245 = arith.addf %add3A_244, %exp3A : vector<1024x1xf32>
    %log3A = math.log %add3A_245 : vector<1024x1xf32>
    %add3A_246 = arith.addf %max3A_240, %log3A : vector<1024x1xf32>
    %reduce_sum3A_247 = vector.shape_cast %add3A_246 : vector<1024x1xf32> to vector<1x1024x1xf32>
    %reduce_sum3A_248 = arith.constant dense<0.000000e+00> : vector<1xf32>
    %reduce_sum3A_249 = vector.multi_reduction <add>, %reduce_sum3A_247, %reduce_sum3A_248 [1, 2] : vector<1x1024x1xf32> to vector<1xf32>
    %reduce_sum3A_250 = vector.shape_cast %reduce_sum3A_249 : vector<1xf32> to vector<1x1x1xf32>
    %reduce_sum3A_251 = vector.extract %reduce_sum3A_250[0, 0, 0] : f32 from vector<1x1x1xf32>
    %mul3A_252 = arith.mulf %slice3A_226, %slice3A_226 : vector<1024x128xf32>
    %reduce_sum3A_253 = vector.shape_cast %mul3A_252 : vector<1024x128xf32> to vector<1x1024x128xf32>
    %reduce_sum3A_254 = arith.constant dense<0.000000e+00> : vector<1xf32>
    %reduce_sum3A_255 = vector.multi_reduction <add>, %reduce_sum3A_253, %reduce_sum3A_254 [1, 2] : vector<1x1024x128xf32> to vector<1xf32>
    %reduce_sum3A_256 = vector.shape_cast %reduce_sum3A_255 : vector<1xf32> to vector<1x1x1xf32>
    %reduce_sum3A_257 = vector.extract %reduce_sum3A_256[0, 0, 0] : f32 from vector<1x1x1xf32>
    %mul3A_258 = arith.mulf %slice3A_227, %slice3A_227 : vector<1024x128xf32>
    %reduce_sum3A_259 = vector.shape_cast %mul3A_258 : vector<1024x128xf32> to vector<1x1024x128xf32>
    %reduce_sum3A_260 = arith.constant dense<0.000000e+00> : vector<1xf32>
    %reduce_sum3A_261 = vector.multi_reduction <add>, %reduce_sum3A_259, %reduce_sum3A_260 [1, 2] : vector<1x1024x128xf32> to vector<1xf32>
    %reduce_sum3A_262 = vector.shape_cast %reduce_sum3A_261 : vector<1xf32> to vector<1x1x1xf32>
    %reduce_sum3A_263 = vector.extract %reduce_sum3A_262[0, 0, 0] : f32 from vector<1x1x1xf32>
    %add3A_264 = arith.addf %reduce_sum3A_257, %reduce_sum3A_263 : f32
    %mul3A_265 = arith.mulf %slice3A_228, %slice3A_228 : vector<1024x128xf32>
    %reduce_sum3A_266 = vector.shape_cast %mul3A_265 : vector<1024x128xf32> to vector<1x1024x128xf32>
    %reduce_sum3A_267 = arith.constant dense<0.000000e+00> : vector<1xf32>
    %reduce_sum3A_268 = vector.multi_reduction <add>, %reduce_sum3A_266, %reduce_sum3A_267 [1, 2] : vector<1x1024x128xf32> to vector<1xf32>
    %reduce_sum3A_269 = vector.shape_cast %reduce_sum3A_268 : vector<1xf32> to vector<1x1x1xf32>
    %reduce_sum3A_270 = vector.extract %reduce_sum3A_269[0, 0, 0] : f32 from vector<1x1x1xf32>
    %add3A_271 = arith.addf %add3A_264, %reduce_sum3A_270 : f32
    %mul3A_272 = arith.mulf %select_n3A_215, %select_n3A_215 : vector<1024x128xf32>
    %reduce_sum3A_273 = vector.shape_cast %mul3A_272 : vector<1024x128xf32> to vector<1x1024x128xf32>
    %reduce_sum3A_274 = arith.constant dense<0.000000e+00> : vector<1xf32>
    %reduce_sum3A_275 = vector.multi_reduction <add>, %reduce_sum3A_273, %reduce_sum3A_274 [1, 2] : vector<1x1024x128xf32> to vector<1xf32>
    %reduce_sum3A_276 = vector.shape_cast %reduce_sum3A_275 : vector<1xf32> to vector<1x1x1xf32>
    %reduce_sum3A_277 = vector.extract %reduce_sum3A_276[0, 0, 0] : f32 from vector<1x1x1xf32>
    %add3A_278 = arith.addf %add3A_271, %reduce_sum3A_277 : f32
    %mul3A_279 = arith.constant 5.000000e-01 : f32
    %mul3A_280 = arith.mulf %mul3A_279, %add3A_278 : f32
    %mul3A_281 = arith.constant 0.00999999977 : f32
    %mul3A_282 = arith.mulf %mul3A_281, %mul3A_280 : f32
    %add3A_283 = arith.addf %reduce_sum3A_251, %mul3A_282 : f32
    %eq3A = arith.constant 0 : i32
    %eq3A_284 = arith.cmpi eq, %arg0, %eq3A : i32
    %convert_element_type3A_285 = arith.extui %eq3A_284 : i1 to i32
    %cond3A = arith.constant 0 : i32
    %cond3A_286 = arith.cmpi ne, %convert_element_type3A_285, %cond3A : i32
    scf.if %cond3A_286 {
      %broadcast_in_dim3A_299 = arith.constant 0.000000e+00 : f32
      %broadcast_in_dim3A_300 = vector.broadcast %broadcast_in_dim3A_299 : f32 to vector<1x1xf32>
      %swap3A_301 = arith.constant 0 : index
      %swap3A_302 = arith.constant 0 : index
      %swap3A_303 = vector.load %arg5[%swap3A_301, %swap3A_302] : memref<1x1xf32, #tpu.memory_space<vmem>>, vector<1x1xf32>
      tpu.vector_store %arg5[%swap3A_301, %swap3A_302], %broadcast_in_dim3A_300 {strides = array<i32>} : memref<1x1xf32, #tpu.memory_space<vmem>>, vector<1x1xf32>,
    } else {
    }
    %get3A_287 = arith.constant 0 : index
    %get3A_288 = arith.constant 0 : index
    %get3A_289 = vector.load %arg5[%get3A_287, %get3A_288] : memref<1x1xf32, #tpu.memory_space<vmem>>, vector<1x1xf32>
    %add3A_290 = vector.broadcast %add3A_283 : f32 to vector<1x1xf32>
    %add3A_291 = arith.addf %get3A_289, %add3A_290 : vector<1x1xf32>
    %swap3A = arith.constant 0 : index
    %swap3A_292 = arith.constant 0 : index
    %swap3A_293 = vector.load %arg5[%swap3A, %swap3A_292] : memref<1x1xf32, #tpu.memory_space<vmem>>, vector<1x1xf32>
    tpu.vector_store %arg5[%swap3A, %swap3A_292], %add3A_291 {strides = array<i32>} : memref<1x1xf32, #tpu.memory_space<vmem>>, vector<1x1xf32>,
    %eq3A_294 = arith.constant 7 : i32
    %eq3A_295 = arith.cmpi eq, %arg0, %eq3A_294 : i32
    %convert_element_type3A_296 = arith.extui %eq3A_295 : i1 to i32
    %cond3A_297 = arith.constant 0 : i32
    %cond3A_298 = arith.cmpi ne, %convert_element_type3A_296, %cond3A_297 : i32
    scf.if %cond3A_298 {
      %get3A_299 = arith.constant 0 : index
      %get3A_300 = arith.constant 0 : index
      %get3A_301 = vector.load %arg5[%get3A_299, %get3A_300] : memref<1x1xf32, #tpu.memory_space<vmem>>, vector<1x1xf32>
      %mul3A_302 = arith.constant 1.22070313E-4 : f32
      %mul3A_303 = vector.broadcast %mul3A_302 : f32 to vector<1x1xf32>
      %mul3A_304 = arith.mulf %get3A_301, %mul3A_303 : vector<1x1xf32>
      %swap3A_305 = arith.constant 0 : index
      %swap3A_306 = arith.constant 0 : index
      %swap3A_307 = vector.load %arg5[%swap3A_305, %swap3A_306] : memref<1x1xf32, #tpu.memory_space<vmem>>, vector<1x1xf32>
      tpu.vector_store %arg5[%swap3A_305, %swap3A_306], %mul3A_304 {strides = array<i32>} : memref<1x1xf32, #tpu.memory_space<vmem>>, vector<1x1xf32>,
    } else {
    }
    return
  }
  func.func @transform_0(%arg0: i32) -> (i32, i32, i32) {
    %c0_i32 = arith.constant 0 : i32
    %c0_i32_0 = arith.constant 0 : i32
    %c0_i32_1 = arith.constant 0 : i32
    return %c0_i32, %arg0, %c0_i32_0 : i32, i32, i32
  }
  func.func @transform_1(%arg0: i32) -> (i32, i32) {
    %c0_i32 = arith.constant 0 : i32
    %c0_i32_0 = arith.constant 0 : i32
    return %arg0, %c0_i32 : i32, i32
  }
  func.func @transform_2(%arg0: i32) -> (i32, i32) {
    %c0_i32 = arith.constant 0 : i32
    %c0_i32_0 = arith.constant 0 : i32
    %c0_i32_1 = arith.constant 0 : i32
    return %c0_i32, %c0_i32_0 : i32, i32
  }
  func.func @transform_3(%arg0: i32) -> (i32, i32) {
    %c0_i32 = arith.constant 0 : i32
    %c0_i32_0 = arith.constant 0 : i32
    %c0_i32_1 = arith.constant 0 : i32
    return %c0_i32, %c0_i32_0 : i32, i32
  }
  func.func @transform_4(%arg0: i32) -> (i32, i32) {
    %c0_i32 = arith.constant 0 : i32
    %c0_i32_0 = arith.constant 0 : i32
    %c0_i32_1 = arith.constant 0 : i32
    return %c0_i32, %c0_i32_0 : i32, i32
  }
}

</mosaic_0001>

<sc_bundles>
// kernel: kernel.4.cloned.1.call-start
scs
__scs_entry_jumppad:
0x0: {  	(pc) =	sbr.rel $0x88, $3  }
0x1: {  	(tag) =	ssettag $0x0;
	lr =	simm.s32 $0x1  }
0x2: {  	[smem:$0x3F9A] =	sst lr;
	_ =	strace $0xD0000000  }
0x3: {  	_ = 	snop  }
0x4: {  	_ = 	snop  }
0x5: {  	_ = 	snop  }
0x6: {  	_ = 	snop  }
0x7: {  	_ = 	snop  }
__scs_overlays_trampoline_lowered:
0x8: {  	[smem:$0x3FA9] =	sst s0  }
0x9: {  	[smem:$0x3FAA] =	sst s1  }
0xa: {  	[smem:$0x3FAB] =	sst s2  }
0xb: {  	[smem:$0x3FAC] =	sst s3  }
0xc: {  	[smem:$0x3FAD] =	sst s4  }
0xd: {  	[smem:$0x3FAE] =	sst s5  }
0xe: {  	[smem:$0x3FAF] =	sst s6  }
0xf: {  	[smem:$0x3FB0] =	sst s7  }
0x10: {  	[smem:$0x3FB1] =	sst s8  }
0x11: {  	[smem:$0x3FB2] =	sst s9;
	s0 =	simm.s32 @!p0 $0x0  }
0x12: {  	s1 =	sld [smem:$0x3F98];
	s0 =	simm.s32 @p0 $0x1  }
0x13: {  	[smem:$0x3FB3] =	sst s0;
	s0 =	simm.s32 @!p1 $0x0  }
0x14: {  	s2 =	sld [smem:$0x3F97];
	s0 =	simm.s32 @p1 $0x1  }
0x15: {  	[smem:$0x3FB4] =	sst s0;
	s0 =	simm.s32 @!p2 $0x0  }
0x16: {  	s3 =	sld [smem:$0x3FDB];
	s0 =	simm.s32 @p2 $0x1  }
0x17: {  	s4 =	simm.s32 $0x1BF5;
	[smem:$0x3FB6] =	sst s0  }
0x18: {  	s0 =	sld [smem:$0x3F99];
	_ =	swait.ge [sflag:s4], $0x0  }
0x19: {  	s7 =	sld [smem:$0x3F9A]  }
0x1a: {  	s8 =	sadd.s32 $0xFFFFE003, lr  }
0x1b: {  	s9 =	sadd.s32 $0xFFFFFEF7, lr;
	s5 =	simm.s32 $0xFFFFFFFF;
	p2 =	slt.u32 s8, $0xFFFFF086  }
0x1c: {  	p1 =	slt.u32 s9, $0xF7A;
	s5 =	simm.s32 @!p2 $0x0  }
0x1d: {  	s5 =	simm.s32 @p1 $0x1;
	p0 =	seq.s32 s7, s2  }
0x1e: {  	s7 =	smul.u32 @!p0 $0xF7A, s2;
	p2 =	seq.s32 @!p0 s5, $0x0  }
0x1f: {  	s9 =	smul.u32 $0xF7A, s1;
	s8 =	simm.s32 @!p0 $0x1BF5;
	p2 =	por !p2, p0  }
0x20: {  	[sflag:s8] =	ssyncset.s32 @!p0 $0xFFFFF086;
	s6 =	sadd.s32 @!p0 s3, s7;
	s7 =	simm.s32 @!p0 $0x108  }
0x21: {  	s3 =	sadd.s32 s3, s9;
	s6 =	sadd.s32 @!p0 $0x88, s6;
	s7 =	simm.s32 @p2 $0x1082  }
0x22: {  	[simem:s7], [sflag:s8] =	dma.local @!p0 [hbm:s6], $0xF7A  }
0x23: {  	s9 =	sor.u32 $0xD0000000, s2;
	s6 =	simm.s32 $0x108;
	_ =	swait.ge @!p0 [sflag:s8], $0x0  }
0x24: {  	s3 =	sadd.s32 $0x88, s3;
	s6 =	simm.s32 @!p1 $0x1082;
	[sflag:s4] =	ssyncset.s32 $0xFFFFF086  }
0x25: {  	[simem:s6], [sflag:s4] =	dma.local [hbm:s3], $0xF7A  }
0x26: {  	[smem:$0x3F9A] =	sst s1;
	(tag) =	ssettag s2;
	_ =	strace s9  }
0x27: {  	s1 =	sld [smem:$0x3FAA]  }
0x28: {  	s2 =	sld [smem:$0x3FAB]  }
0x29: {  	s4 =	sld [smem:$0x3FAD]  }
0x2a: {  	p0 =	seq.s32 s5, $0x0;
	s5 =	sld [smem:$0x3FAE]  }
0x2b: {  	s6 =	sld [smem:$0x3FAF]  }
0x2c: {  	s7 =	sld [smem:$0x3FB0]  }
0x2d: {  	s3 =	simm.s32 $0x108;
	s8 =	sld [smem:$0x3FB1]  }
0x2e: {  	s3 =	simm.s32 @!p0 $0x1082;
	s9 =	sld [smem:$0x3FB2]  }
0x2f: {  	lr =	sadd.s32 s0, s3;
	s0 =	sld [smem:$0x3FA9]  }
0x30: {  	s3 =	sld [smem:$0x3FAC]  }
0x31: {  	[smem:$0x3FB5] =	sst s10  }
0x32: {  	s10 =	sld [smem:$0x3FB3];
	_ =	sdelay $0x3  }
0x33: {  	p0 =	seq.s32 s10, $0x1;
	s10 =	sld [smem:$0x3FB5];
	_ =	sdelay $0x3  }
0x34: {  	[smem:$0x3FB5] =	sst s10  }
0x35: {  	s10 =	sld [smem:$0x3FB4];
	_ =	sdelay $0x3  }
0x36: {  	p1 =	seq.s32 s10, $0x1;
	s10 =	sld [smem:$0x3FB5];
	_ =	sdelay $0x3  }
0x37: {  	[smem:$0x3FB5] =	sst s10  }
0x38: {  	s10 =	sld [smem:$0x3FB6]  }
0x39: {  	_ = 	snop;
	(pc) =	sbr.ind lr, $3  }
0x3a: {  	_ = 	snop  }
0x3b: {  	_ = 	snop  }
0x3c: {  	p2 =	seq.s32 s10, $0x1;
	s10 =	sld [smem:$0x3FB5]  }
0x3d: {  	_ =	shalt  }
0x3e: {  	_ =	shalt  }
0x3f: {  	_ =	shalt  }
0x40: {  	_ =	shalt  }
0x41: {  	_ =	shalt  }
0x42: {  	_ =	shalt  }
0x43: {  	_ =	shalt  }
0x44: {  	_ =	shalt  }
0x45: {  	_ =	shalt  }
0x46: {  	_ =	shalt  }
0x47: {  	_ =	shalt  }
0x48: {  	_ =	shalt  }
0x49: {  	_ =	shalt  }
0x4a: {  	_ =	shalt  }
0x4b: {  	_ =	shalt  }
0x4c: {  	_ =	shalt  }
0x4d: {  	_ =	shalt  }
0x4e: {  	_ =	shalt  }
0x4f: {  	_ =	shalt  }
0x50: {  	_ =	shalt  }
0x51: {  	_ =	shalt  }
0x52: {  	_ =	shalt  }
0x53: {  	_ =	shalt  }
0x54: {  	_ =	shalt  }
0x55: {  	_ =	shalt  }
0x56: {  	_ =	shalt  }
0x57: {  	_ =	shalt  }
0x58: {  	_ =	shalt  }
0x59: {  	_ =	shalt  }
0x5a: {  	_ =	shalt  }
0x5b: {  	_ =	shalt  }
0x5c: {  	_ =	shalt  }
0x5d: {  	_ =	shalt  }
0x5e: {  	_ =	shalt  }
0x5f: {  	_ =	shalt  }
0x60: {  	_ =	shalt  }
0x61: {  	_ =	shalt  }
0x62: {  	_ =	shalt  }
0x63: {  	_ =	shalt  }
0x64: {  	_ =	shalt  }
0x65: {  	_ =	shalt  }
0x66: {  	_ =	shalt  }
0x67: {  	_ =	shalt  }
0x68: {  	_ =	shalt  }
0x69: {  	_ =	shalt  }
0x6a: {  	_ =	shalt  }
0x6b: {  	_ =	shalt  }
0x6c: {  	_ =	shalt  }
0x6d: {  	_ =	shalt  }
0x6e: {  	_ =	shalt  }
0x6f: {  	_ =	shalt  }
0x70: {  	_ =	shalt  }
0x71: {  	_ =	shalt  }
0x72: {  	_ =	shalt  }
0x73: {  	_ =	shalt  }
0x74: {  	_ =	shalt  }
0x75: {  	_ =	shalt  }
0x76: {  	_ =	shalt  }
0x77: {  	_ =	shalt  }
0x78: {  	_ =	shalt  }
0x79: {  	_ =	shalt  }
0x7a: {  	_ =	shalt  }
0x7b: {  	_ =	shalt  }
0x7c: {  	_ =	shalt  }
0x7d: {  	_ =	shalt  }
0x7e: {  	_ =	shalt  }
0x7f: {  	_ =	shalt  }
0x80: {  	_ =	shalt  }
0x81: {  	_ =	shalt  }
0x82: {  	_ =	shalt  }
0x83: {  	_ =	shalt  }
0x84: {  	_ =	shalt  }
0x85: {  	_ =	shalt  }
0x86: {  	_ =	shalt  }
0x87: {  	_ =	shalt  }
.Lfunc_end0:
.L_simem_size_0:
called_computation_lowered:
.L_overlay_start_0:
0x88: {  	s2 =	sld [smem:$0x3FD9]  }
0x89: {  	s3 =	sld [smem:$0x3FFE];
	_ =	sdelay $0x1  }
0x8a: {  	s1 =	srdreg.scid  }
0x8b: {  	s0 =	sand.u32 $0x1, s1  }
0x8c: {  	s17 =	sshll.u32 s0, $0xA;
	s2 =	sadd.s32 s3, s2  }
0x8d: {  	s2 =	sadd.s32 s2, s17  }
0x8e: {  	[smem:$0x3FC1] =	sst s2  }
0x8f: {  	_ = 	snop  }
0x90: {  	s2 =	sld [smem:$0x3FC5];
	(tm) =	ssettm $0x1  }
0x91: {  	s18 =	sld [smem:$0x3FFB];
	_ =	sdelay $0x3  }
0x92: {  	_ =	strace s18  }
0x93: {  	s3 =	sld [smem:$0x3FFC];
	_ =	sdelay $0x3  }
0x94: {  	_ =	strace s3  }
0x95: {  	s3 =	sld [smem:$0x3FFD];
	_ =	sdelay $0x3  }
0x96: {  	_ =	strace s3  }
0x97: {  	_ =	strace $0x8FFFFFFF  }
0x98: {  	s19 =	sld [smem:$0x3FDB];
	_ =	sdelay $0x1  }
0x99: {  	s4 =	simm.s32 $_scs_section_size  }
0x9a: {  	s5 =	simm.s32 $_size__tile_overlayer_lowered;
	s6 =	simm.s32 $_tile_overlayer_lowered  }
0x9b: {  	s22 =	simm.s32 $0x1BFF;
	s21 =	sshll.u32 s6, $0x1;
	s3 =	sadd.s32 s4, s19  }
0x9c: {  	s7 =	simm.s32 $0x0;
	s20 =	sshll.u32 s5, $0x1;
	s5 =	sadd.s32 s21, s3  }
0x9d: {  	[timem:s7], [sflag:s22] =	dma.local [hbm:s5], s20  }
0x9e: {  	_ =	swait.ge [sflag:s22], s20  }
0x9f: {  	s4 =	ssub.s32 $0x0, s20;
	[sflag:s22] =	ssyncset.done $0x0  }
0xa0: {  	[sflag:s22] =	ssyncadd.s32 s4;
	_ =	sdelay $0x1  }
0xa1: {  	s23 =	simm.s32 $0x1B8B  }
0xa2: {  	_ =	swait.ge [sflag:s23], $0x1  }
0xa3: {  	[sflag:s23] =	ssyncset.done $0x0  }
0xa4: {  	s25 =	simm.s32 $0x1B8E;
	s24 =	sld [smem:$0x3FFE];
	[sflag:s23] =	ssyncadd.s32 $0xFFFFFFFF  }
0xa5: {  	s26 =	simm.s32 $execute0_lowered;
	[smem:$0x3FD2] =	sst s25  }
0xa6: {  	s5 =	sshll.u32 s26, $0x1;
	_ =	strace $0x80000046;
	[dreg:$0x1] =	wrdreg $0xFFFFFFFF  }
0xa7: {  	s28 =	simm.s32 $_size_execute0_lowered;
	s3 =	sadd.s32 s3, s5;
	[dreg:$0x0] =	wrdreg $0x0  }
0xa8: {  	s5 =	sshll.u32 s28, $0x1;
	[dreg:$0x2] =	wrdreg s3  }
0xa9: {  	[dreg:$0x3] =	wrdreg s5  }
0xaa: {  	[dreg:$0x4] =	wrdreg $0xC0  }
0xab: {  	_ =	task [dreg:s7], $0x5FFFF  }
0xac: {  	[dreg:$0x1] =	wrdreg $0xFFFFFFFF  }
0xad: {  	[dreg:$0x0] =	wrdreg $0x60  }
0xae: {  	[dreg:$0x2] =	wrdreg s2  }
0xaf: {  	[dreg:$0x3] =	wrdreg s24  }
0xb0: {  	[dreg:$0x4] =	wrdreg $0x9  }
0xb1: {  	_ =	task.clear_ibuf [dreg:s7], $0x5FFFF;
	_ =	strace $0x90000046  }
0xb2: {  	s29 =	simm.s32 $0x9;
	_ =	strace $0x80000048  }
0xb3: {  	_ =	swait.ge [sflag:s29], $0x1  }
0xb4: {  	[sflag:s29] =	ssyncadd.s32 $0xFFFFFFFF  }
0xb5: {  	_ =	strace $0x90000048  }
0xb6: {  	_ =	sfence  }
0xb7: {  	s30 =	sld [smem:$0x0];
	_ =	sdelay $0x2  }
0xb8: {  	s31 =	sshll.u32 s1, $0xD;
	s1 =	sshrl.u32 s1, $0x2  }
0xb9: {  	s3 =	sand.u32 $0x4000, s31;
	s1 =	sadd.s32 s1, s30  }
0xba: {  	s0 =	sor.u32 s3, s0;
	s1 =	sshll.u32 s1, $0x11  }
0xbb: {  	s0 =	sor.u32 s1, s0  }
0xbc: {  	s0 =	sadd.s32 $0x8F2B, s0  }
0xbd: {  	[sflag:s0] =	ssyncadd.remote.s32 $0x1  }
0xbe: {  	_ =	sfence.sel $0xFFFF  }
0xbf: {  	[dreg:$0x0] =	wrdreg $0xFFFFFFFF;
	(pc) =	sbr.abs _section_cstart, $3  }
0xc0: {  	[dreg:$0x1] =	wrdreg $0xFFFFFFFF  }
0xc1: {  	_ =	task.clear_ibuf [dreg:s7], $0x2FFFF;
	_ =	strace $0x9FFFFFFF  }
0xc2: {  	(tm) =	ssettm $0x7FFFFFFF  }
0xc3: {  	_ =	shalt  }
tec
execute0_lowered:
.L_overlay_start_1:
0x0: {  	(tag) =	ssettag $0x1  }
0x1: {  	s1 =	srdreg.scid;
	s0 =	stileid.u32  }
0x2: {  	s2 =	rddreg [dreg:$0x0];
	s18 =	sand.u32 $0x1, s1;
	s29 =	sshll.u32 s0, $0x1  }
0x3: {  	s19 =	rddreg [dreg:$0x1];
	s20 =	sor.u32 s18, s29  }
0x4: {  	s3 =	simm.s32 $0x0;
	s1 =	rddreg [dreg:$0x2];
	s4 =	sshll.u32 s20, $0x7  }
0x5: {  	[smem:$0x7FF] =	sst s3;
	s4 =	sadd.s32 s4, s19  }
0x6: {  	_ =	strace $0x80000047;
	s5 =	sadd.s32 $0xC00, s4;
	s4 =	simm.s32 $0x2  }
0x7: {  	[tilespmem:s3], [sflag:$0x2] =	stream.linear.gather [hbm4b:s5+s3], $0x300, $0x38;
	[tilespmem:$0x18400] =	vst v63  }
0x8: {  	_ =	swait.ge [sflag:s4], $0x300  }
0x9: {  	[sflag:s4] =	ssyncset.done $0x0  }
0xa: {  	s6 =	simm.s32 $0x80;
	s7 =	simm.s32 $0x400;
	[sflag:s4] =	ssyncadd.s32 $0xFFFFFD00  }
0xb: {  	[tilespmem:s7], [sflag:$0x1] =	stream.indirect.gather [hbm4b:s2+s6], $0x80, s3, s6, $0xb8;
	[tilespmem:$0x18400] =	vst v63  }
0xc: {  	s8 =	simm.s32 $0x4400  }
0xd: {  	[tilespmem:s8], [sflag:$0x1] =	stream.indirect.gather [hbm4b:s2+s6], $0x80, s6, s6, $0xb8;
	[tilespmem:$0x18400] =	vst v63  }
0xe: {  	s9 =	simm.s32 $0x100;
	s10 =	simm.s32 $0x8400  }
0xf: {  	[tilespmem:s10], [sflag:$0x1] =	stream.indirect.gather [hbm4b:s2+s6], $0x80, s9, s6, $0xb8;
	[tilespmem:$0x18400] =	vst v63  }
0x10: {  	s11 =	simm.s32 $0x180;
	s12 =	simm.s32 $0xC400  }
0x11: {  	[tilespmem:s12], [sflag:$0x1] =	stream.indirect.gather [hbm4b:s2+s6], $0x80, s11, s6, $0xb8;
	[tilespmem:$0x18400] =	vst v63  }
0x12: {  	s13 =	simm.s32 $0x200;
	s14 =	simm.s32 $0x10400  }
0x13: {  	[tilespmem:s14], [sflag:$0x1] =	stream.indirect.gather [hbm4b:s2+s6], $0x80, s13, s6, $0xb8;
	[tilespmem:$0x18400] =	vst v63  }
0x14: {  	s15 =	simm.s32 $0x280;
	s16 =	simm.s32 $0x14400;
	s17 =	simm.s32 $0x1  }
0x15: {  	[tilespmem:s16], [sflag:$0x1] =	stream.indirect.gather [hbm4b:s2+s6], $0x80, s15, s6, $0xb8;
	[tilespmem:$0x18400] =	vst v63  }
0x16: {  	_ =	swait.ge [sflag:s17], $0x4000  }
0x17: {  	[sflag:s17] =	ssyncset.done $0x0  }
0x18: {  	[sflag:s17] =	ssyncadd.s32 $0xFFFFC000  }
0x19: {  	_ =	swait.ge [sflag:s17], $0x4000  }
0x1a: {  	[sflag:s17] =	ssyncset.done $0x0  }
0x1b: {  	[sflag:s17] =	ssyncadd.s32 $0xFFFFC000  }
0x1c: {  	_ =	swait.ge [sflag:s17], $0x4000  }
0x1d: {  	[sflag:s17] =	ssyncset.done $0x0  }
0x1e: {  	[sflag:s17] =	ssyncadd.s32 $0xFFFFC000  }
0x1f: {  	_ =	swait.ge [sflag:s17], $0x4000  }
0x20: {  	[sflag:s17] =	ssyncset.done $0x0  }
0x21: {  	s18 =	ssub.s32 $0x2, s18;
	[sflag:s17] =	ssyncadd.s32 $0xFFFFC000  }
0x22: {  	s21 =	sshrl.u32 s18, $0x1;
	_ =	swait.ge [sflag:s17], $0x4000  }
0x23: {  	s30 =	ssub.s32 s18, s21;
	[sflag:s17] =	ssyncset.done $0x0  }
0x24: {  	s20 =	smul.u32 $0x3000, s20;
	s31 =	smax.u32 s30, $0x1;
	[sflag:s17] =	ssyncadd.s32 $0xFFFFC000  }
0x25: {  	p0 =	sne.s32 s31, $0x1;
	_ =	swait.ge [sflag:s17], $0x4000  }
.Ltmp0:
0x26: {  	s19 =	sadd.s32 s20, s19;
	[sflag:s17] =	ssyncset.done $0x0;
	(pc) =	sbr.rel @!p0 .LBB2_2-.Ltmp0, $4  }
0x27: {  	s18 =	sadd.s32 $0x1C00, s19;
	[sflag:s17] =	ssyncadd.s32 $0xFFFFC000  }
0x28: {  	[hbm4b:s18+s3] =	stream.linear.scatter [tilespmem:s7], [sflag:$0x2], $0x18000, $0x38;
	[tilespmem:$0x18400] =	vst v63  }
0x29: {  	_ =	swait.ge [sflag:s4], $0x18000  }
0x2a: {  	s19 =	sadd.s32 $0xFFFFFFFF, s31;
	[sflag:s4] =	ssyncset.done $0x0  }
.LBB2_1:
0x2b: {  	p0 =	sne.s32 s19, $0x1;
	s19 =	sadd.s32 $0xFFFFFFFF, s19;
	[sflag:s4] =	ssyncadd.s32 $0xFFFE8000  }
0x2c: {  	[tilespmem:s3], [sflag:$0x2] =	stream.linear.gather [hbm4b:s5+s3], $0x300, $0x38;
	[tilespmem:$0x18400] =	vst v63  }
0x2d: {  	_ =	swait.ge [sflag:s4], $0x300  }
0x2e: {  	[sflag:s4] =	ssyncset.done $0x0  }
0x2f: {  	[sflag:s4] =	ssyncadd.s32 $0xFFFFFD00  }
0x30: {  	[tilespmem:s7], [sflag:$0x1] =	stream.indirect.gather [hbm4b:s2+s6], $0x80, s3, s6, $0xb8;
	[tilespmem:$0x18400] =	vst v63  }
0x31: {  	_ = 	snop  }
0x32: {  	[tilespmem:s8], [sflag:$0x1] =	stream.indirect.gather [hbm4b:s2+s6], $0x80, s6, s6, $0xb8;
	[tilespmem:$0x18400] =	vst v63  }
0x33: {  	_ = 	snop  }
0x34: {  	[tilespmem:s10], [sflag:$0x1] =	stream.indirect.gather [hbm4b:s2+s6], $0x80, s9, s6, $0xb8;
	[tilespmem:$0x18400] =	vst v63  }
0x35: {  	_ = 	snop  }
0x36: {  	[tilespmem:s12], [sflag:$0x1] =	stream.indirect.gather [hbm4b:s2+s6], $0x80, s11, s6, $0xb8;
	[tilespmem:$0x18400] =	vst v63  }
0x37: {  	_ = 	snop  }
0x38: {  	[tilespmem:s14], [sflag:$0x1] =	stream.indirect.gather [hbm4b:s2+s6], $0x80, s13, s6, $0xb8;
	[tilespmem:$0x18400] =	vst v63  }
0x39: {  	_ = 	snop  }
0x3a: {  	[tilespmem:s16], [sflag:$0x1] =	stream.indirect.gather [hbm4b:s2+s6], $0x80, s15, s6, $0xb8;
	[tilespmem:$0x18400] =	vst v63  }
0x3b: {  	_ =	swait.ge [sflag:s17], $0x4000  }
0x3c: {  	[sflag:s17] =	ssyncset.done $0x0  }
0x3d: {  	[sflag:s17] =	ssyncadd.s32 $0xFFFFC000  }
0x3e: {  	_ =	swait.ge [sflag:s17], $0x4000  }
0x3f: {  	[sflag:s17] =	ssyncset.done $0x0  }
0x40: {  	[sflag:s17] =	ssyncadd.s32 $0xFFFFC000  }
0x41: {  	_ =	swait.ge [sflag:s17], $0x4000  }
0x42: {  	[sflag:s17] =	ssyncset.done $0x0  }
0x43: {  	[sflag:s17] =	ssyncadd.s32 $0xFFFFC000  }
0x44: {  	_ =	swait.ge [sflag:s17], $0x4000  }
0x45: {  	[sflag:s17] =	ssyncset.done $0x0  }
0x46: {  	[sflag:s17] =	ssyncadd.s32 $0xFFFFC000  }
0x47: {  	_ =	swait.ge [sflag:s17], $0x4000  }
0x48: {  	[sflag:s17] =	ssyncset.done $0x0  }
0x49: {  	[sflag:s17] =	ssyncadd.s32 $0xFFFFC000  }
0x4a: {  	_ =	swait.ge [sflag:s17], $0x4000  }
.Ltmp1:
0x4b: {  	[sflag:s17] =	ssyncset.done $0x0;
	(pc) =	sbr.rel @p0 .LBB2_1-.Ltmp1, $4  }
0x4c: {  	[sflag:s17] =	ssyncadd.s32 $0xFFFFC000  }
0x4d: {  	[hbm4b:s18+s3] =	stream.linear.scatter [tilespmem:s7], [sflag:$0x2], $0x18000, $0x38;
	[tilespmem:$0x18400] =	vst v63  }
0x4e: {  	_ =	swait.ge [sflag:s4], $0x18000  }
0x4f: {  	[sflag:s4] =	ssyncset.done $0x0  }
.LBB2_2:
0x50: {  	[sflag:s4] =	ssyncadd.s32 $0xFFFE8000  }
0x51: {  	_ =	sfence.sel $0x180000  }
0x52: {  	[bflag:$0x0] =	sbarrier.arrive $0xFFFF  }
0x53: {  	p0 =	sne.s32 s0, $0x0;
	_ =	strace $0x90000047  }
0x54: {  	s0 =	sadd.s32 @!p0 $0x100000, s1;
	[bflag:$0x2] =	sbarrier.arrive $0xFFFF  }
0x55: {  	[sflag:s0] =	ssyncadd.tile.s32 @!p0 $0x1;
	_ =	shalt  }
.Lfunc_end2:
_tile_overlayer_lowered:
.L_overlay_start_2:
0x56: {  	(tag) =	ssettag $0x2  }
0x57: {  	s0 =	rddreg [dreg:$0x0];
	s2 =	stileid.u32  }
0x58: {  	s1 =	rddreg [dreg:$0x1];
	p0 =	sne.s32 s2, $0x0  }
0x59: {  	s3 =	rddreg [dreg:$0x2];
	[bflag:$0x3] =	sbarrier.arrive $0xFFFF;
	s2 =	simm.s32 @!p0 $0x1C02  }
0x5a: {  	[timem:s3], [sflag:s2] =	dma.local @!p0 [hbm:s0], s1  }
0x5b: {  	s0 =	simm.s32 @!p0 $0x2  }
0x5c: {  	_ =	swait.ge @!p0 [sflag:s0], s1  }
0x5d: {  	s1 =	ssub.s32 @!p0 $0x0, s1;
	[sflag:s0] =	ssyncset.done @!p0 $0x0  }
0x5e: {  	[sflag:s0] =	ssyncadd.s32 @!p0 s1  }
0x5f: {  	[bflag:$0x3] =	sbarrier.arrive $0xFFFF  }
0x60: {  	_ =	shalt  }

</sc_bundles>
